<compile_context>
chip_gen: v7x
topology: tpu7x:2x2x1
jax: 0.10.2.dev20260603
libtpu: 0.0.44.dev20260713+nightly
codegen_flags: <defaults>
</compile_context>

<pallas_src>
import jax
import jax.numpy as jnp
from jax import lax
from jax.experimental import pallas as pl
from jax.experimental.pallas import tpu as pltpu
from jax.experimental.pallas import tpu_sc as plsc

B = 1024
L = 200
PP = 208
D = 64
GAMMA = 0.7
NW = 32
ROWS_PER_W = (2 * B) // NW
GL = 80
MAX_KCH = GL // 16


def _sc_body(rperm_hbm, sp_hbm, lens_hbm, emb_hbm, out_hbm,
             sp_v, perm_v, lens_v, buf_v, out_v, embv_v, tmp_v, sem, *,
             mask_id):
    nc = 2
    wid = lax.axis_index("s") * nc + lax.axis_index("c")
    base = wid * ROWS_PER_W

    pltpu.sync_copy(sp_hbm.at[pl.ds(base, ROWS_PER_W), :], sp_v)
    pltpu.sync_copy(rperm_hbm.at[pl.ds(base, ROWS_PER_W), :], perm_v)
    pltpu.sync_copy(lens_hbm.at[pl.ds(base, ROWS_PER_W), :], lens_v)
    pltpu.sync_copy(emb_hbm.at[mask_id], embv_v)

    vfill = jnp.full((16,), mask_id, jnp.int32)
    zerov = jnp.zeros((16,), jnp.int32)
    ss_v = tmp_v
    ss_v[0, pl.ds(0, 16)] = zerov

    def _scan16(x):
        cs = x
        for k in (1, 2, 4, 8):
            ss_v[0, pl.ds(16, 16)] = cs
            cs = cs + ss_v[0, pl.ds(16 - k, 16)]
        return cs

    def row_body(j, _):
        nvec = lens_v[j, pl.ds(0, 16)]
        keptv = lens_v[j, pl.ds(16, 16)]
        kept = keptv[0]
        walked = lens_v[j, pl.ds(32, 16)][0]

        def wbody(c, cums):
            pvec = perm_v[j, pl.ds(c * 16, 16)]
            ind = pvec < nvec
            cs = _scan16(jnp.where(ind, 1, 0))
            cum = cs + jnp.full((16,), cums, jnp.int32)
            keep = ind & (cum <= keptv)
            ids = jnp.where(keep, sp_v[j, pl.ds(c * 16, 16)], vfill)
            pltpu.async_copy(emb_hbm.at[ids], buf_v.at[c], sem)
            ss_v[1, pl.ds(0, 16)] = cs
            return cums + ss_v[1, pl.ds(0, 16)][15]

        lax.fori_loop(0, walked, wbody, jnp.int32(0))

        def drain(c, _):
            pltpu.make_async_copy(emb_hbm.at[pl.ds(0, 16)], buf_v.at[0],
                                  sem).wait()
            return 0

        lax.fori_loop(0, walked, drain, 0)

        def accum(c, accs):
            out = list(accs)
            for r in range(16):
                for k in range(4):
                    out[k] = out[k] + buf_v[c, r, pl.ds(k * 16, 16)]
            return tuple(out)

        zero = jnp.zeros((16,), jnp.float32)
        accs = lax.fori_loop(0, walked, accum, (zero, zero, zero, zero))

        extrav = (jnp.full((16,), walked * 16, jnp.int32)
                  - keptv).astype(jnp.float32)
        for k in range(4):
            out_v[j, pl.ds(k * 16, 16)] = (
                accs[k] - extrav * embv_v[pl.ds(k * 16, 16)])
        return 0

    lax.fori_loop(0, ROWS_PER_W, row_body, 0)
    pltpu.sync_copy(out_v, out_hbm.at[pl.ds(base, ROWS_PER_W), :])


def _run_sc(perm, seqperm, lens2, item_emb, mask_id):
    import functools
    mesh = plsc.VectorSubcoreMesh(core_axis_name="c", subcore_axis_name="s",
                                  num_cores=2, num_subcores=16)
    return pl.kernel(
        functools.partial(_sc_body, mask_id=mask_id),
        out_type=jax.ShapeDtypeStruct((2 * B, D), jnp.float32),
        mesh=mesh,
        compiler_params=pltpu.CompilerParams(use_tc_tiling_on_sc=False),
        scratch_types=[
            pltpu.VMEM((ROWS_PER_W, PP), jnp.int32),
            pltpu.VMEM((ROWS_PER_W, PP), jnp.int32),
            pltpu.VMEM((ROWS_PER_W, 48), jnp.int32),
            pltpu.VMEM((PP // 16, 16, D), jnp.float32),
            pltpu.VMEM((ROWS_PER_W, D), jnp.float32),
            pltpu.VMEM((D,), jnp.float32),
            pltpu.VMEM((PP // 16 + 1, 32), jnp.int32),
            pltpu.SemaphoreType.DMA,
        ],
    )(perm, seqperm, lens2, item_emb)


def _loss_kernel(sums_ref, corr_ref, lenb_ref, out_ref):
    rep = (sums_ref[...] + corr_ref[...]) / lenb_ref[...]
    ri = rep[:B, :]
    rj = rep[B:, :]
    dn = (((1,), (1,)), ((), ()))
    sim_ij = lax.dot_general(ri, rj, dn, preferred_element_type=jnp.float32)
    sim_ii = lax.dot_general(ri, ri, dn, preferred_element_type=jnp.float32)
    row = lax.broadcasted_iota(jnp.int32, (B, B), 0)
    col = lax.broadcasted_iota(jnp.int32, (B, B), 1)
    diag = row == col
    sim_ii = jnp.where(diag, -1e9, sim_ii)
    pos = jnp.sum(jnp.where(diag, sim_ij, 0.0), axis=1)
    m = jnp.maximum(jnp.max(sim_ij, axis=1), jnp.max(sim_ii, axis=1))
    z = (jnp.sum(jnp.exp(sim_ij - m[:, None]), axis=1)
         + jnp.sum(jnp.exp(sim_ii - m[:, None]), axis=1))
    logz = m + jnp.log(z)
    out_ref[...] = jnp.reshape(jnp.mean(logz - pos), (1, 1))


def _run_loss(sums, corr, lenb):
    return pl.pallas_call(
        _loss_kernel,
        out_shape=jax.ShapeDtypeStruct((1, 1), jnp.float32),
    )(sums, corr, lenb)


def _perm_const():
    def draw(key):
        keys = jax.random.split(key, B)
        return jax.vmap(lambda k: jax.random.uniform(k, (L,)))(keys)

    s = jnp.concatenate([draw(jax.random.key(123)),
                         draw(jax.random.key(456))], axis=0)
    perm = jnp.argsort(s, axis=1, stable=True).astype(jnp.int32)
    return jnp.pad(perm[:, ::-1], ((0, 0), (0, PP - L)),
                   constant_values=255)


def kernel(sequences, seq_lens, item_emb):
    v = int(item_emb.shape[0] - 1)
    perm = _perm_const()

    seq = sequences.astype(jnp.int32)
    lens2 = jnp.concatenate([seq_lens, seq_lens]).astype(jnp.int32)
    lf = lens2.astype(jnp.float32)
    sub = jnp.floor(jnp.float32(GAMMA) * lf).astype(jnp.int32)
    kept2 = lens2 - sub
    cumv = jnp.cumsum((perm < lens2[:, None]).astype(jnp.int32), axis=1)
    walked2 = 1 + jnp.argmax(cumv >= kept2[:, None], axis=1).astype(
        jnp.int32) // 16
    lensaux = jnp.concatenate(
        [jnp.broadcast_to(lens2[:, None], (2 * B, 16)),
         jnp.broadcast_to(kept2[:, None], (2 * B, 16)),
         jnp.broadcast_to(walked2[:, None], (2 * B, 16))], axis=1)
    seq2 = jnp.concatenate([seq, seq], axis=0)
    seqperm = jnp.take_along_axis(seq2, jnp.minimum(perm, L - 1), axis=1)

    sums = _run_sc(perm, seqperm, lensaux, item_emb, v)

    corr = sub.astype(jnp.float32)[:, None] * item_emb[v][None, :]
    lenb = jnp.broadcast_to(lf[:, None], (2 * B, D))

    loss = _run_loss(sums, corr, lenb)
    return jnp.reshape(loss, ())

# --- scband reference (transcript-rebuilt; emitter-appended) ---
"""Pipeline reference for scband-cl4-srec-augmentation-16801912062160 (READ-ONLY COPY).

The authoritative reference and input builder live on the scoring server;
editing this copy changes nothing except your own understanding.
"""

import jax, jax.numpy as jnp
import numpy as np

B, L, V, D = 1024, 200, 100000, 64
GAMMA = 0.7
MASK_ID = V  # train_data.num_items
TEMPERATURE = 1.0


def setup_inputs(seed: int = 0) -> dict:
    key = jax.random.key(seed)
    k1, k2, k3 = jax.random.split(key, 3)
    sequences = jax.random.randint(k1, (B, L), 0, V)
    seq_lens = jax.random.randint(k2, (B,), 1, L + 1)  # at least length 1
    item_emb = jax.random.normal(k3, (V + 1, D), dtype=jnp.float32)
    return {"sequences": sequences, "seq_lens": seq_lens, "item_emb": item_emb}


def _item_mask_row(seq, seq_len, key):
    # Item_Mask: choose sub_len = int(gamma * seq_len) positions without
    # replacement from [0, seq_len) and overwrite with mask_id.
    scores = jax.random.uniform(key, (L,))
    pos = jnp.arange(L)
    valid = pos < seq_len
    scores = jnp.where(valid, scores, jnp.inf)
    ranks = jnp.argsort(jnp.argsort(scores))
    sub_len = jnp.floor(GAMMA * seq_len.astype(jnp.float32)).astype(jnp.int32)
    do_mask = ranks < sub_len
    return jnp.where(do_mask, MASK_ID, seq)


def _augment(sequences, seq_lens, key):
    keys = jax.random.split(key, B)
    return jax.vmap(_item_mask_row)(sequences, seq_lens, keys)


def _encode(seq_aug, seq_lens, item_emb):
    # simple mean-pool sequence encoder over valid positions (SparseCore gather)
    emb = jnp.take(item_emb, seq_aug, axis=0)  # [B, L, D]
    valid = (jnp.arange(L)[None, :] < seq_lens[:, None]).astype(emb.dtype)
    pooled = (emb * valid[:, :, None]).sum(axis=1) / seq_lens[:, None].astype(emb.dtype)
    return pooled


def reference(sequences, seq_lens, item_emb):
    # CL4SRec: two independent augmented views -> encoder -> InfoNCE (batch_both, inner_product)
    ka = jax.random.key(123)
    kb = jax.random.key(456)
    seq_i = _augment(sequences, seq_lens, ka)
    seq_j = _augment(sequences, seq_lens, kb)
    rep_i = _encode(seq_i, seq_lens, item_emb)
    rep_j = _encode(seq_j, seq_lens, item_emb)

    sim_ii = (rep_i @ rep_i.T) / TEMPERATURE
    sim_ij = (rep_i @ rep_j.T) / TEMPERATURE
    diag = jnp.arange(B)
    sim_ii = sim_ii.at[diag, diag].set(-1e9)  # mask self-similarity
    logits = jnp.concatenate([sim_ij, sim_ii], axis=-1)  # [B, 2B]
    logZ = jax.nn.logsumexp(logits, axis=-1)
    loss = jnp.mean(logZ - logits[diag, diag])  # cross_entropy with labels = arange(B)
    return loss

if __name__ == "__main__":
    import jax
    _d = setup_inputs()
    print(jax.jit(kernel)(*tuple(_d.values())))

</pallas_src>

<mosaic_0001>
#map = affine_map<(d0, d1) -> (0, 0)>
module attributes {stable_mosaic.version = 14 : i64} {
  func.func @_sc_body(%arg0: i32, %arg1: i32, %arg2: memref<2048x208xi32, #tpu.memory_space<hbm>>, %arg3: memref<2048x208xi32, #tpu.memory_space<hbm>>, %arg4: memref<2048x48xi32, #tpu.memory_space<hbm>>, %arg5: memref<100001x64xf32, #tpu.memory_space<hbm>>, %arg6: memref<2048x64xf32, #tpu.memory_space<hbm>>, %arg7: memref<64x208xi32, #tpu.memory_space<vmem>>, %arg8: memref<64x208xi32, #tpu.memory_space<vmem>>, %arg9: memref<64x48xi32, #tpu.memory_space<vmem>>, %arg10: memref<13x16x64xf32, #tpu.memory_space<vmem>>, %arg11: memref<64x64xf32, #tpu.memory_space<vmem>>, %arg12: memref<64xf32, #tpu.memory_space<vmem>>, %arg13: memref<14x32xi32, #tpu.memory_space<vmem>>, %arg14: memref<!tpu.dma_semaphore, #tpu.memory_space<semaphore_mem>>) attributes {dimension_semantics = [#tpu.dimension_semantics<core_parallel>, #tpu.dimension_semantics<subcore_parallel>], iteration_bounds = array<i64: 2, 16>, scalar_prefetch = 0 : i64, scratch_operands = 8 : i64, tpu.core_type = #tpu.core_type<sc_vector_subcore>, window_params = [{transform_indices = #map}, {transform_indices = #map}, {transform_indices = #map}, {transform_indices = #map}, {transform_indices = #map}]} {
    %mul3A = arith.constant 2 : i32
    %mul3A_0 = arith.muli %arg1, %mul3A : i32
    %add3A = arith.addi %mul3A_0, %arg0 : i32
    %mul3A_1 = arith.constant 64 : i32
    %mul3A_2 = arith.muli %add3A, %mul3A_1 : i32
    "tpu.region"() ({
      %run_scoped3A_17 = tpu.sem_alloc : memref<!tpu.dma_semaphore, #tpu.memory_space<semaphore_mem>>
      %dma_start3A = arith.constant 0 : i32
      %dma_start3A_18 = tpu.memref_slice %arg3[%mul3A_2, %dma_start3A] : memref<2048x208xi32, #tpu.memory_space<hbm>> -> memref<64x208xi32, #tpu.memory_space<hbm>>
      %dma_start3A_19 = arith.constant 0 : i32
      %dma_start3A_20 = tpu.memref_slice %arg3[%mul3A_2, %dma_start3A_19] : memref<2048x208xi32, #tpu.memory_space<hbm>> -> memref<64x208xi32, #tpu.memory_space<hbm>>
      tpu.enqueue_dma source(%dma_start3A_20 : memref<64x208xi32, #tpu.memory_space<hbm>>) target(%arg7 : memref<64x208xi32, #tpu.memory_space<vmem>>) target_semaphore(%run_scoped3A_17 : memref<!tpu.dma_semaphore, #tpu.memory_space<semaphore_mem>>)
      %dma_wait3A = arith.constant 0 : i32
      %dma_wait3A_21 = tpu.memref_slice %arg3[%mul3A_2, %dma_wait3A] : memref<2048x208xi32, #tpu.memory_space<hbm>> -> memref<64x208xi32, #tpu.memory_space<hbm>>
      %dma_wait3A_22 = arith.constant 0 : i32
      %dma_wait3A_23 = tpu.memref_slice %arg3[%mul3A_2, %dma_wait3A_22] : memref<2048x208xi32, #tpu.memory_space<hbm>> -> memref<64x208xi32, #tpu.memory_space<hbm>>
      tpu.wait_dma2 semaphore(%run_scoped3A_17 : memref<!tpu.dma_semaphore, #tpu.memory_space<semaphore_mem>>) src(%dma_wait3A_23 : memref<64x208xi32, #tpu.memory_space<hbm>>) dst(%arg7 : memref<64x208xi32, #tpu.memory_space<vmem>>)
      tpu.yield
    }) : () -> ()
    "tpu.region"() ({
      %run_scoped3A_17 = tpu.sem_alloc : memref<!tpu.dma_semaphore, #tpu.memory_space<semaphore_mem>>
      %dma_start3A = arith.constant 0 : i32
      %dma_start3A_18 = tpu.memref_slice %arg2[%mul3A_2, %dma_start3A] : memref<2048x208xi32, #tpu.memory_space<hbm>> -> memref<64x208xi32, #tpu.memory_space<hbm>>
      %dma_start3A_19 = arith.constant 0 : i32
      %dma_start3A_20 = tpu.memref_slice %arg2[%mul3A_2, %dma_start3A_19] : memref<2048x208xi32, #tpu.memory_space<hbm>> -> memref<64x208xi32, #tpu.memory_space<hbm>>
      tpu.enqueue_dma source(%dma_start3A_20 : memref<64x208xi32, #tpu.memory_space<hbm>>) target(%arg8 : memref<64x208xi32, #tpu.memory_space<vmem>>) target_semaphore(%run_scoped3A_17 : memref<!tpu.dma_semaphore, #tpu.memory_space<semaphore_mem>>)
      %dma_wait3A = arith.constant 0 : i32
      %dma_wait3A_21 = tpu.memref_slice %arg2[%mul3A_2, %dma_wait3A] : memref<2048x208xi32, #tpu.memory_space<hbm>> -> memref<64x208xi32, #tpu.memory_space<hbm>>
      %dma_wait3A_22 = arith.constant 0 : i32
      %dma_wait3A_23 = tpu.memref_slice %arg2[%mul3A_2, %dma_wait3A_22] : memref<2048x208xi32, #tpu.memory_space<hbm>> -> memref<64x208xi32, #tpu.memory_space<hbm>>
      tpu.wait_dma2 semaphore(%run_scoped3A_17 : memref<!tpu.dma_semaphore, #tpu.memory_space<semaphore_mem>>) src(%dma_wait3A_23 : memref<64x208xi32, #tpu.memory_space<hbm>>) dst(%arg8 : memref<64x208xi32, #tpu.memory_space<vmem>>)
      tpu.yield
    }) : () -> ()
    "tpu.region"() ({
      %run_scoped3A_17 = tpu.sem_alloc : memref<!tpu.dma_semaphore, #tpu.memory_space<semaphore_mem>>
      %dma_start3A = arith.constant 0 : i32
      %dma_start3A_18 = tpu.memref_slice %arg4[%mul3A_2, %dma_start3A] : memref<2048x48xi32, #tpu.memory_space<hbm>> -> memref<64x48xi32, #tpu.memory_space<hbm>>
      %dma_start3A_19 = arith.constant 0 : i32
      %dma_start3A_20 = tpu.memref_slice %arg4[%mul3A_2, %dma_start3A_19] : memref<2048x48xi32, #tpu.memory_space<hbm>> -> memref<64x48xi32, #tpu.memory_space<hbm>>
      tpu.enqueue_dma source(%dma_start3A_20 : memref<64x48xi32, #tpu.memory_space<hbm>>) target(%arg9 : memref<64x48xi32, #tpu.memory_space<vmem>>) target_semaphore(%run_scoped3A_17 : memref<!tpu.dma_semaphore, #tpu.memory_space<semaphore_mem>>)
      %dma_wait3A = arith.constant 0 : i32
      %dma_wait3A_21 = tpu.memref_slice %arg4[%mul3A_2, %dma_wait3A] : memref<2048x48xi32, #tpu.memory_space<hbm>> -> memref<64x48xi32, #tpu.memory_space<hbm>>
      %dma_wait3A_22 = arith.constant 0 : i32
      %dma_wait3A_23 = tpu.memref_slice %arg4[%mul3A_2, %dma_wait3A_22] : memref<2048x48xi32, #tpu.memory_space<hbm>> -> memref<64x48xi32, #tpu.memory_space<hbm>>
      tpu.wait_dma2 semaphore(%run_scoped3A_17 : memref<!tpu.dma_semaphore, #tpu.memory_space<semaphore_mem>>) src(%dma_wait3A_23 : memref<64x48xi32, #tpu.memory_space<hbm>>) dst(%arg9 : memref<64x48xi32, #tpu.memory_space<vmem>>)
      tpu.yield
    }) : () -> ()
    %run_scoped3A = arith.constant 100000 : i32
    "tpu.region"() ({
      %run_scoped3A_17 = tpu.sem_alloc : memref<!tpu.dma_semaphore, #tpu.memory_space<semaphore_mem>>
      %dma_start3A = arith.constant 0 : i32
      %dma_start3A_18 = tpu.memref_slice %arg5[%run_scoped3A, %dma_start3A] : memref<100001x64xf32, #tpu.memory_space<hbm>> -> memref<1x64xf32, #tpu.memory_space<hbm>>
      %dma_start3A_19 = tpu.memref_squeeze %dma_start3A_18 : memref<1x64xf32, #tpu.memory_space<hbm>> -> memref<64xf32, #tpu.memory_space<hbm>>
      %dma_start3A_20 = arith.constant 0 : i32
      %dma_start3A_21 = tpu.memref_slice %arg5[%run_scoped3A, %dma_start3A_20] : memref<100001x64xf32, #tpu.memory_space<hbm>> -> memref<1x64xf32, #tpu.memory_space<hbm>>
      %dma_start3A_22 = tpu.memref_squeeze %dma_start3A_21 : memref<1x64xf32, #tpu.memory_space<hbm>> -> memref<64xf32, #tpu.memory_space<hbm>>
      tpu.enqueue_dma source(%dma_start3A_22 : memref<64xf32, #tpu.memory_space<hbm>>) target(%arg12 : memref<64xf32, #tpu.memory_space<vmem>>) target_semaphore(%run_scoped3A_17 : memref<!tpu.dma_semaphore, #tpu.memory_space<semaphore_mem>>)
      %dma_wait3A = arith.constant 0 : i32
      %dma_wait3A_23 = tpu.memref_slice %arg5[%run_scoped3A, %dma_wait3A] : memref<100001x64xf32, #tpu.memory_space<hbm>> -> memref<1x64xf32, #tpu.memory_space<hbm>>
      %dma_wait3A_24 = tpu.memref_squeeze %dma_wait3A_23 : memref<1x64xf32, #tpu.memory_space<hbm>> -> memref<64xf32, #tpu.memory_space<hbm>>
      %dma_wait3A_25 = arith.constant 0 : i32
      %dma_wait3A_26 = tpu.memref_slice %arg5[%run_scoped3A, %dma_wait3A_25] : memref<100001x64xf32, #tpu.memory_space<hbm>> -> memref<1x64xf32, #tpu.memory_space<hbm>>
      %dma_wait3A_27 = tpu.memref_squeeze %dma_wait3A_26 : memref<1x64xf32, #tpu.memory_space<hbm>> -> memref<64xf32, #tpu.memory_space<hbm>>
      tpu.wait_dma2 semaphore(%run_scoped3A_17 : memref<!tpu.dma_semaphore, #tpu.memory_space<semaphore_mem>>) src(%dma_wait3A_27 : memref<64xf32, #tpu.memory_space<hbm>>) dst(%arg12 : memref<64xf32, #tpu.memory_space<vmem>>)
      tpu.yield
    }) : () -> ()
    %broadcast_in_dim3A = arith.constant 100000 : i32
    %broadcast_in_dim3A_3 = vector.broadcast %broadcast_in_dim3A : i32 to vector<16xi32>
    %broadcast_in_dim3A_4 = arith.constant 0 : i32
    %broadcast_in_dim3A_5 = vector.broadcast %broadcast_in_dim3A_4 : i32 to vector<16xi32>
    %swap3A = arith.constant 0 : i32
    %swap3A_6 = arith.index_cast %swap3A : i32 to index
    %swap3A_7 = arith.constant 0 : index
    %swap3A_8 = tpu.vector_load %arg13[%swap3A_6, %swap3A_7] {strides = array<i32>} : memref<14x32xi32, #tpu.memory_space<vmem>>, vector<1x16xi32>,
    %swap3A_9 = vector.shape_cast %swap3A_8 : vector<1x16xi32> to vector<16xi32>
    %swap3A_10 = vector.shape_cast %broadcast_in_dim3A_5 : vector<16xi32> to vector<1x16xi32>
    tpu.vector_store %arg13[%swap3A_6, %swap3A_7], %swap3A_10 {strides = array<i32>} : memref<14x32xi32, #tpu.memory_space<vmem>>, vector<1x16xi32>,
    %scan3A = arith.constant 0 : i32
    %scan3A_11 = arith.constant 0 : i32
    %scan3A_12 = arith.constant 64 : i32
    %scan3A_13 = arith.addi %scan3A_11, %scan3A_12 : i32
    %scan3A_14 = arith.constant 1 : i32
    %scan3A_15 = scf.for %scan3A_17 = %scan3A_11 to %scan3A_13 step %scan3A_14 iter_args(%scan3A_18 = %scan3A) -> (i32)  : i32 {
      %get3A = arith.index_cast %scan3A_17 : i32 to index
      %get3A_19 = arith.constant 0 : index
      %get3A_20 = tpu.vector_load %arg9[%get3A, %get3A_19] {strides = array<i32>} : memref<64x48xi32, #tpu.memory_space<vmem>>, vector<1x16xi32>,
      %get3A_21 = vector.shape_cast %get3A_20 : vector<1x16xi32> to vector<16xi32>
      %get3A_22 = arith.index_cast %scan3A_17 : i32 to index
      %get3A_23 = arith.constant 16 : index
      %get3A_24 = tpu.vector_load %arg9[%get3A_22, %get3A_23] {strides = array<i32>} : memref<64x48xi32, #tpu.memory_space<vmem>>, vector<1x16xi32>,
      %get3A_25 = vector.shape_cast %get3A_24 : vector<1x16xi32> to vector<16xi32>
      %slice3A = vector.extract_strided_slice %get3A_25 {offsets = [0], sizes = [1], strides = [1]} : vector<16xi32> to vector<1xi32>
      %squeeze3A = vector.extract %slice3A[0] : i32 from vector<1xi32>
      %get3A_26 = arith.index_cast %scan3A_17 : i32 to index
      %get3A_27 = arith.constant 32 : index
      %get3A_28 = tpu.vector_load %arg9[%get3A_26, %get3A_27] {strides = array<i32>} : memref<64x48xi32, #tpu.memory_space<vmem>>, vector<1x16xi32>,
      %get3A_29 = vector.shape_cast %get3A_28 : vector<1x16xi32> to vector<16xi32>
      %slice3A_30 = vector.extract_strided_slice %get3A_29 {offsets = [0], sizes = [1], strides = [1]} : vector<16xi32> to vector<1xi32>
      %squeeze3A_31 = vector.extract %slice3A_30[0] : i32 from vector<1xi32>
      %while3A = arith.constant 0 : i32
      %while3A_32 = arith.constant 0 : i32
      %while3A_33 = arith.subi %squeeze3A_31, %while3A : i32
      %while3A_34 = arith.addi %while3A, %while3A_33 : i32
      %while3A_35 = arith.constant 1 : i32
      %while3A_36 = arith.divsi %while3A_33, %while3A_35 : i32
      %while3A_37 = arith.muli %while3A_36, %while3A_35 : i32
      %while3A_38 = arith.addi %while3A, %while3A_37 : i32
      %while3A_39 = arith.constant 1 : i32
      %while3A_40 = scf.for %while3A_112 = %while3A to %while3A_38 step %while3A_39 iter_args(%while3A_113 = %while3A_32) -> (i32)  : i32 {
        %mul3A_114 = arith.constant 16 : i32
        %mul3A_115 = arith.muli %while3A_112, %mul3A_114 : i32
        %get3A_116 = arith.index_cast %scan3A_17 : i32 to index
        %get3A_117 = arith.index_cast %mul3A_115 : i32 to index
        %get3A_118 = tpu.vector_load %arg8[%get3A_116, %get3A_117] {strides = array<i32>} : memref<64x208xi32, #tpu.memory_space<vmem>>, vector<1x16xi32>,
        %get3A_119 = vector.shape_cast %get3A_118 : vector<1x16xi32> to vector<16xi32>
        %lt3A = arith.cmpi slt, %get3A_119, %get3A_21 : vector<16xi32>
        %jit3A = arith.constant 1 : i32
        %jit3A_120 = arith.constant 0 : i32
        %broadcast_in_dim3A_121 = vector.broadcast %jit3A : i32 to vector<16xi32>
        %broadcast_in_dim3A_122 = vector.broadcast %jit3A_120 : i32 to vector<16xi32>
        %select_n3A = arith.select %lt3A, %broadcast_in_dim3A_121, %broadcast_in_dim3A_122 : vector<16xi1>, vector<16xi32>
        %swap3A_123 = arith.constant 0 : i32
        %swap3A_124 = arith.index_cast %swap3A_123 : i32 to index
        %swap3A_125 = arith.constant 16 : index
        %swap3A_126 = tpu.vector_load %arg13[%swap3A_124, %swap3A_125] {strides = array<i32>} : memref<14x32xi32, #tpu.memory_space<vmem>>, vector<1x16xi32>,
        %swap3A_127 = vector.shape_cast %swap3A_126 : vector<1x16xi32> to vector<16xi32>
        %swap3A_128 = vector.shape_cast %select_n3A : vector<16xi32> to vector<1x16xi32>
        tpu.vector_store %arg13[%swap3A_124, %swap3A_125], %swap3A_128 {strides = array<i32>} : memref<14x32xi32, #tpu.memory_space<vmem>>, vector<1x16xi32>,
        %get3A_129 = arith.constant 0 : i32
        %get3A_130 = arith.index_cast %get3A_129 : i32 to index
        %get3A_131 = arith.constant 15 : index
        %get3A_132 = tpu.vector_load %arg13[%get3A_130, %get3A_131] {strides = array<i32>} : memref<14x32xi32, #tpu.memory_space<vmem>>, vector<1x16xi32>,
        %get3A_133 = vector.shape_cast %get3A_132 : vector<1x16xi32> to vector<16xi32>
        %add3A_134 = arith.addi %select_n3A, %get3A_133 : vector<16xi32>
        %swap3A_135 = arith.constant 0 : i32
        %swap3A_136 = arith.index_cast %swap3A_135 : i32 to index
        %swap3A_137 = arith.constant 16 : index
        %swap3A_138 = tpu.vector_load %arg13[%swap3A_136, %swap3A_137] {strides = array<i32>} : memref<14x32xi32, #tpu.memory_space<vmem>>, vector<1x16xi32>,
        %swap3A_139 = vector.shape_cast %swap3A_138 : vector<1x16xi32> to vector<16xi32>
        %swap3A_140 = vector.shape_cast %add3A_134 : vector<16xi32> to vector<1x16xi32>
        tpu.vector_store %arg13[%swap3A_136, %swap3A_137], %swap3A_140 {strides = array<i32>} : memref<14x32xi32, #tpu.memory_space<vmem>>, vector<1x16xi32>,
        %get3A_141 = arith.constant 0 : i32
        %get3A_142 = arith.index_cast %get3A_141 : i32 to index
        %get3A_143 = arith.constant 14 : index
        %get3A_144 = tpu.vector_load %arg13[%get3A_142, %get3A_143] {strides = array<i32>} : memref<14x32xi32, #tpu.memory_space<vmem>>, vector<1x16xi32>,
        %get3A_145 = vector.shape_cast %get3A_144 : vector<1x16xi32> to vector<16xi32>
        %add3A_146 = arith.addi %add3A_134, %get3A_145 : vector<16xi32>
        %swap3A_147 = arith.constant 0 : i32
        %swap3A_148 = arith.index_cast %swap3A_147 : i32 to index
        %swap3A_149 = arith.constant 16 : index
        %swap3A_150 = tpu.vector_load %arg13[%swap3A_148, %swap3A_149] {strides = array<i32>} : memref<14x32xi32, #tpu.memory_space<vmem>>, vector<1x16xi32>,
        %swap3A_151 = vector.shape_cast %swap3A_150 : vector<1x16xi32> to vector<16xi32>
        %swap3A_152 = vector.shape_cast %add3A_146 : vector<16xi32> to vector<1x16xi32>
        tpu.vector_store %arg13[%swap3A_148, %swap3A_149], %swap3A_152 {strides = array<i32>} : memref<14x32xi32, #tpu.memory_space<vmem>>, vector<1x16xi32>,
        %get3A_153 = arith.constant 0 : i32
        %get3A_154 = arith.index_cast %get3A_153 : i32 to index
        %get3A_155 = arith.constant 12 : index
        %get3A_156 = tpu.vector_load %arg13[%get3A_154, %get3A_155] {strides = array<i32>} : memref<14x32xi32, #tpu.memory_space<vmem>>, vector<1x16xi32>,
        %get3A_157 = vector.shape_cast %get3A_156 : vector<1x16xi32> to vector<16xi32>
        %add3A_158 = arith.addi %add3A_146, %get3A_157 : vector<16xi32>
        %swap3A_159 = arith.constant 0 : i32
        %swap3A_160 = arith.index_cast %swap3A_159 : i32 to index
        %swap3A_161 = arith.constant 16 : index
        %swap3A_162 = tpu.vector_load %arg13[%swap3A_160, %swap3A_161] {strides = array<i32>} : memref<14x32xi32, #tpu.memory_space<vmem>>, vector<1x16xi32>,
        %swap3A_163 = vector.shape_cast %swap3A_162 : vector<1x16xi32> to vector<16xi32>
        %swap3A_164 = vector.shape_cast %add3A_158 : vector<16xi32> to vector<1x16xi32>
        tpu.vector_store %arg13[%swap3A_160, %swap3A_161], %swap3A_164 {strides = array<i32>} : memref<14x32xi32, #tpu.memory_space<vmem>>, vector<1x16xi32>,
        %get3A_165 = arith.constant 0 : i32
        %get3A_166 = arith.index_cast %get3A_165 : i32 to index
        %get3A_167 = arith.constant 8 : index
        %get3A_168 = tpu.vector_load %arg13[%get3A_166, %get3A_167] {strides = array<i32>} : memref<14x32xi32, #tpu.memory_space<vmem>>, vector<1x16xi32>,
        %get3A_169 = vector.shape_cast %get3A_168 : vector<1x16xi32> to vector<16xi32>
        %add3A_170 = arith.addi %add3A_158, %get3A_169 : vector<16xi32>
        %broadcast_in_dim3A_171 = vector.broadcast %while3A_113 : i32 to vector<16xi32>
        %add3A_172 = arith.addi %add3A_170, %broadcast_in_dim3A_171 : vector<16xi32>
        %le3A = arith.cmpi sle, %add3A_172, %get3A_25 : vector<16xi32>
        %and3A = arith.andi %lt3A, %le3A : vector<16xi1>
        %mul3A_173 = arith.constant 16 : i32
        %mul3A_174 = arith.muli %while3A_112, %mul3A_173 : i32
        %get3A_175 = arith.index_cast %scan3A_17 : i32 to index
        %get3A_176 = arith.index_cast %mul3A_174 : i32 to index
        %get3A_177 = tpu.vector_load %arg7[%get3A_175, %get3A_176] {strides = array<i32>} : memref<64x208xi32, #tpu.memory_space<vmem>>, vector<1x16xi32>,
        %get3A_178 = vector.shape_cast %get3A_177 : vector<1x16xi32> to vector<16xi32>
        %select_n3A_179 = arith.select %and3A, %get3A_178, %broadcast_in_dim3A_3 : vector<16xi1>, vector<16xi32>
        %dma_start3A = arith.constant 0 : i32
        %dma_start3A_180 = arith.constant 0 : i32
        %dma_start3A_181 = tpu.memref_slice %arg10[%while3A_112, %dma_start3A, %dma_start3A_180] : memref<13x16x64xf32, #tpu.memory_space<vmem>> -> memref<1x16x64xf32, #tpu.memory_space<vmem>>
        %dma_start3A_182 = tpu.memref_squeeze %dma_start3A_181 : memref<1x16x64xf32, #tpu.memory_space<vmem>> -> memref<16x64xf32, #tpu.memory_space<vmem>>
        %dma_start3A_183 = arith.constant 0 : i32
        %dma_start3A_184 = arith.constant 0 : i32
        %dma_start3A_185 = tpu.memref_slice %arg5[%dma_start3A_183, %dma_start3A_184] : memref<100001x64xf32, #tpu.memory_space<hbm>> -> memref<100001x64xf32, #tpu.memory_space<hbm>>
        tpu.enqueue_indirect_dma source(%dma_start3A_185 : memref<100001x64xf32, #tpu.memory_space<hbm>>) target(%dma_start3A_182 : memref<16x64xf32, #tpu.memory_space<vmem>>) offsets(%select_n3A_179 : vector<16xi32>) semaphore(%arg14 : memref<!tpu.dma_semaphore, #tpu.memory_space<semaphore_mem>>)
        %swap3A_186 = arith.constant 1 : i32
        %swap3A_187 = arith.index_cast %swap3A_186 : i32 to index
        %swap3A_188 = arith.constant 0 : index
        %swap3A_189 = tpu.vector_load %arg13[%swap3A_187, %swap3A_188] {strides = array<i32>} : memref<14x32xi32, #tpu.memory_space<vmem>>, vector<1x16xi32>,
        %swap3A_190 = vector.shape_cast %swap3A_189 : vector<1x16xi32> to vector<16xi32>
        %swap3A_191 = vector.shape_cast %add3A_170 : vector<16xi32> to vector<1x16xi32>
        tpu.vector_store %arg13[%swap3A_187, %swap3A_188], %swap3A_191 {strides = array<i32>} : memref<14x32xi32, #tpu.memory_space<vmem>>, vector<1x16xi32>,
        %get3A_192 = arith.constant 1 : i32
        %get3A_193 = arith.index_cast %get3A_192 : i32 to index
        %get3A_194 = arith.constant 0 : index
        %get3A_195 = tpu.vector_load %arg13[%get3A_193, %get3A_194] {strides = array<i32>} : memref<14x32xi32, #tpu.memory_space<vmem>>, vector<1x16xi32>,
        %get3A_196 = vector.shape_cast %get3A_195 : vector<1x16xi32> to vector<16xi32>
        %slice3A_197 = vector.extract_strided_slice %get3A_196 {offsets = [15], sizes = [1], strides = [1]} : vector<16xi32> to vector<1xi32>
        %squeeze3A_198 = vector.extract %slice3A_197[0] : i32 from vector<1xi32>
        %add3A_199 = arith.addi %while3A_113, %squeeze3A_198 : i32
        scf.yield %add3A_199 : i32
      }
      %while3A_41 = arith.constant 1 : i32
      %while3A_42 = scf.for %while3A_112 = %while3A_38 to %while3A_34 step %while3A_41 iter_args(%while3A_113 = %while3A_40) -> (i32)  : i32 {
        %mul3A_114 = arith.constant 16 : i32
        %mul3A_115 = arith.muli %while3A_112, %mul3A_114 : i32
        %get3A_116 = arith.index_cast %scan3A_17 : i32 to index
        %get3A_117 = arith.index_cast %mul3A_115 : i32 to index
        %get3A_118 = tpu.vector_load %arg8[%get3A_116, %get3A_117] {strides = array<i32>} : memref<64x208xi32, #tpu.memory_space<vmem>>, vector<1x16xi32>,
        %get3A_119 = vector.shape_cast %get3A_118 : vector<1x16xi32> to vector<16xi32>
        %lt3A = arith.cmpi slt, %get3A_119, %get3A_21 : vector<16xi32>
        %jit3A = arith.constant 1 : i32
        %jit3A_120 = arith.constant 0 : i32
        %broadcast_in_dim3A_121 = vector.broadcast %jit3A : i32 to vector<16xi32>
        %broadcast_in_dim3A_122 = vector.broadcast %jit3A_120 : i32 to vector<16xi32>
        %select_n3A = arith.select %lt3A, %broadcast_in_dim3A_121, %broadcast_in_dim3A_122 : vector<16xi1>, vector<16xi32>
        %swap3A_123 = arith.constant 0 : i32
        %swap3A_124 = arith.index_cast %swap3A_123 : i32 to index
        %swap3A_125 = arith.constant 16 : index
        %swap3A_126 = tpu.vector_load %arg13[%swap3A_124, %swap3A_125] {strides = array<i32>} : memref<14x32xi32, #tpu.memory_space<vmem>>, vector<1x16xi32>,
        %swap3A_127 = vector.shape_cast %swap3A_126 : vector<1x16xi32> to vector<16xi32>
        %swap3A_128 = vector.shape_cast %select_n3A : vector<16xi32> to vector<1x16xi32>
        tpu.vector_store %arg13[%swap3A_124, %swap3A_125], %swap3A_128 {strides = array<i32>} : memref<14x32xi32, #tpu.memory_space<vmem>>, vector<1x16xi32>,
        %get3A_129 = arith.constant 0 : i32
        %get3A_130 = arith.index_cast %get3A_129 : i32 to index
        %get3A_131 = arith.constant 15 : index
        %get3A_132 = tpu.vector_load %arg13[%get3A_130, %get3A_131] {strides = array<i32>} : memref<14x32xi32, #tpu.memory_space<vmem>>, vector<1x16xi32>,
        %get3A_133 = vector.shape_cast %get3A_132 : vector<1x16xi32> to vector<16xi32>
        %add3A_134 = arith.addi %select_n3A, %get3A_133 : vector<16xi32>
        %swap3A_135 = arith.constant 0 : i32
        %swap3A_136 = arith.index_cast %swap3A_135 : i32 to index
        %swap3A_137 = arith.constant 16 : index
        %swap3A_138 = tpu.vector_load %arg13[%swap3A_136, %swap3A_137] {strides = array<i32>} : memref<14x32xi32, #tpu.memory_space<vmem>>, vector<1x16xi32>,
        %swap3A_139 = vector.shape_cast %swap3A_138 : vector<1x16xi32> to vector<16xi32>
        %swap3A_140 = vector.shape_cast %add3A_134 : vector<16xi32> to vector<1x16xi32>
        tpu.vector_store %arg13[%swap3A_136, %swap3A_137], %swap3A_140 {strides = array<i32>} : memref<14x32xi32, #tpu.memory_space<vmem>>, vector<1x16xi32>,
        %get3A_141 = arith.constant 0 : i32
        %get3A_142 = arith.index_cast %get3A_141 : i32 to index
        %get3A_143 = arith.constant 14 : index
        %get3A_144 = tpu.vector_load %arg13[%get3A_142, %get3A_143] {strides = array<i32>} : memref<14x32xi32, #tpu.memory_space<vmem>>, vector<1x16xi32>,
        %get3A_145 = vector.shape_cast %get3A_144 : vector<1x16xi32> to vector<16xi32>
        %add3A_146 = arith.addi %add3A_134, %get3A_145 : vector<16xi32>
        %swap3A_147 = arith.constant 0 : i32
        %swap3A_148 = arith.index_cast %swap3A_147 : i32 to index
        %swap3A_149 = arith.constant 16 : index
        %swap3A_150 = tpu.vector_load %arg13[%swap3A_148, %swap3A_149] {strides = array<i32>} : memref<14x32xi32, #tpu.memory_space<vmem>>, vector<1x16xi32>,
        %swap3A_151 = vector.shape_cast %swap3A_150 : vector<1x16xi32> to vector<16xi32>
        %swap3A_152 = vector.shape_cast %add3A_146 : vector<16xi32> to vector<1x16xi32>
        tpu.vector_store %arg13[%swap3A_148, %swap3A_149], %swap3A_152 {strides = array<i32>} : memref<14x32xi32, #tpu.memory_space<vmem>>, vector<1x16xi32>,
        %get3A_153 = arith.constant 0 : i32
        %get3A_154 = arith.index_cast %get3A_153 : i32 to index
        %get3A_155 = arith.constant 12 : index
        %get3A_156 = tpu.vector_load %arg13[%get3A_154, %get3A_155] {strides = array<i32>} : memref<14x32xi32, #tpu.memory_space<vmem>>, vector<1x16xi32>,
        %get3A_157 = vector.shape_cast %get3A_156 : vector<1x16xi32> to vector<16xi32>
        %add3A_158 = arith.addi %add3A_146, %get3A_157 : vector<16xi32>
        %swap3A_159 = arith.constant 0 : i32
        %swap3A_160 = arith.index_cast %swap3A_159 : i32 to index
        %swap3A_161 = arith.constant 16 : index
        %swap3A_162 = tpu.vector_load %arg13[%swap3A_160, %swap3A_161] {strides = array<i32>} : memref<14x32xi32, #tpu.memory_space<vmem>>, vector<1x16xi32>,
        %swap3A_163 = vector.shape_cast %swap3A_162 : vector<1x16xi32> to vector<16xi32>
        %swap3A_164 = vector.shape_cast %add3A_158 : vector<16xi32> to vector<1x16xi32>
        tpu.vector_store %arg13[%swap3A_160, %swap3A_161], %swap3A_164 {strides = array<i32>} : memref<14x32xi32, #tpu.memory_space<vmem>>, vector<1x16xi32>,
        %get3A_165 = arith.constant 0 : i32
        %get3A_166 = arith.index_cast %get3A_165 : i32 to index
        %get3A_167 = arith.constant 8 : index
        %get3A_168 = tpu.vector_load %arg13[%get3A_166, %get3A_167] {strides = array<i32>} : memref<14x32xi32, #tpu.memory_space<vmem>>, vector<1x16xi32>,
        %get3A_169 = vector.shape_cast %get3A_168 : vector<1x16xi32> to vector<16xi32>
        %add3A_170 = arith.addi %add3A_158, %get3A_169 : vector<16xi32>
        %broadcast_in_dim3A_171 = vector.broadcast %while3A_113 : i32 to vector<16xi32>
        %add3A_172 = arith.addi %add3A_170, %broadcast_in_dim3A_171 : vector<16xi32>
        %le3A = arith.cmpi sle, %add3A_172, %get3A_25 : vector<16xi32>
        %and3A = arith.andi %lt3A, %le3A : vector<16xi1>
        %mul3A_173 = arith.constant 16 : i32
        %mul3A_174 = arith.muli %while3A_112, %mul3A_173 : i32
        %get3A_175 = arith.index_cast %scan3A_17 : i32 to index
        %get3A_176 = arith.index_cast %mul3A_174 : i32 to index
        %get3A_177 = tpu.vector_load %arg7[%get3A_175, %get3A_176] {strides = array<i32>} : memref<64x208xi32, #tpu.memory_space<vmem>>, vector<1x16xi32>,
        %get3A_178 = vector.shape_cast %get3A_177 : vector<1x16xi32> to vector<16xi32>
        %select_n3A_179 = arith.select %and3A, %get3A_178, %broadcast_in_dim3A_3 : vector<16xi1>, vector<16xi32>
        %dma_start3A = arith.constant 0 : i32
        %dma_start3A_180 = arith.constant 0 : i32
        %dma_start3A_181 = tpu.memref_slice %arg10[%while3A_112, %dma_start3A, %dma_start3A_180] : memref<13x16x64xf32, #tpu.memory_space<vmem>> -> memref<1x16x64xf32, #tpu.memory_space<vmem>>
        %dma_start3A_182 = tpu.memref_squeeze %dma_start3A_181 : memref<1x16x64xf32, #tpu.memory_space<vmem>> -> memref<16x64xf32, #tpu.memory_space<vmem>>
        %dma_start3A_183 = arith.constant 0 : i32
        %dma_start3A_184 = arith.constant 0 : i32
        %dma_start3A_185 = tpu.memref_slice %arg5[%dma_start3A_183, %dma_start3A_184] : memref<100001x64xf32, #tpu.memory_space<hbm>> -> memref<100001x64xf32, #tpu.memory_space<hbm>>
        tpu.enqueue_indirect_dma source(%dma_start3A_185 : memref<100001x64xf32, #tpu.memory_space<hbm>>) target(%dma_start3A_182 : memref<16x64xf32, #tpu.memory_space<vmem>>) offsets(%select_n3A_179 : vector<16xi32>) semaphore(%arg14 : memref<!tpu.dma_semaphore, #tpu.memory_space<semaphore_mem>>)
        %swap3A_186 = arith.constant 1 : i32
        %swap3A_187 = arith.index_cast %swap3A_186 : i32 to index
        %swap3A_188 = arith.constant 0 : index
        %swap3A_189 = tpu.vector_load %arg13[%swap3A_187, %swap3A_188] {strides = array<i32>} : memref<14x32xi32, #tpu.memory_space<vmem>>, vector<1x16xi32>,
        %swap3A_190 = vector.shape_cast %swap3A_189 : vector<1x16xi32> to vector<16xi32>
        %swap3A_191 = vector.shape_cast %add3A_170 : vector<16xi32> to vector<1x16xi32>
        tpu.vector_store %arg13[%swap3A_187, %swap3A_188], %swap3A_191 {strides = array<i32>} : memref<14x32xi32, #tpu.memory_space<vmem>>, vector<1x16xi32>,
        %get3A_192 = arith.constant 1 : i32
        %get3A_193 = arith.index_cast %get3A_192 : i32 to index
        %get3A_194 = arith.constant 0 : index
        %get3A_195 = tpu.vector_load %arg13[%get3A_193, %get3A_194] {strides = array<i32>} : memref<14x32xi32, #tpu.memory_space<vmem>>, vector<1x16xi32>,
        %get3A_196 = vector.shape_cast %get3A_195 : vector<1x16xi32> to vector<16xi32>
        %slice3A_197 = vector.extract_strided_slice %get3A_196 {offsets = [15], sizes = [1], strides = [1]} : vector<16xi32> to vector<1xi32>
        %squeeze3A_198 = vector.extract %slice3A_197[0] : i32 from vector<1xi32>
        %add3A_199 = arith.addi %while3A_113, %squeeze3A_198 : i32
        scf.yield %add3A_199 : i32
      }
      %while3A_43 = arith.constant 0 : i32
      %while3A_44 = arith.constant 0 : i32
      %while3A_45 = arith.subi %squeeze3A_31, %while3A_43 : i32
      %while3A_46 = arith.addi %while3A_43, %while3A_45 : i32
      %while3A_47 = arith.constant 1 : i32
      %while3A_48 = arith.divsi %while3A_45, %while3A_47 : i32
      %while3A_49 = arith.muli %while3A_48, %while3A_47 : i32
      %while3A_50 = arith.addi %while3A_43, %while3A_49 : i32
      %while3A_51 = arith.constant 1 : i32
      %while3A_52 = scf.for %while3A_112 = %while3A_43 to %while3A_50 step %while3A_51 iter_args(%while3A_113 = %while3A_44) -> (i32)  : i32 {
        %dma_wait3A = arith.constant 0 : i32
        %dma_wait3A_114 = arith.constant 0 : i32
        %dma_wait3A_115 = arith.constant 0 : i32
        %dma_wait3A_116 = tpu.memref_slice %arg10[%dma_wait3A, %dma_wait3A_114, %dma_wait3A_115] : memref<13x16x64xf32, #tpu.memory_space<vmem>> -> memref<1x16x64xf32, #tpu.memory_space<vmem>>
        %dma_wait3A_117 = tpu.memref_squeeze %dma_wait3A_116 : memref<1x16x64xf32, #tpu.memory_space<vmem>> -> memref<16x64xf32, #tpu.memory_space<vmem>>
        %dma_wait3A_118 = arith.constant 0 : i32
        %dma_wait3A_119 = arith.constant 0 : i32
        %dma_wait3A_120 = tpu.memref_slice %arg5[%dma_wait3A_118, %dma_wait3A_119] : memref<100001x64xf32, #tpu.memory_space<hbm>> -> memref<16x64xf32, #tpu.memory_space<hbm>>
        %dma_wait3A_121 = arith.constant 0 : i32
        %dma_wait3A_122 = arith.constant 0 : i32
        %dma_wait3A_123 = tpu.memref_slice %arg10[%dma_wait3A, %dma_wait3A_121, %dma_wait3A_122] : memref<13x16x64xf32, #tpu.memory_space<vmem>> -> memref<1x16x64xf32, #tpu.memory_space<vmem>>
        %dma_wait3A_124 = tpu.memref_squeeze %dma_wait3A_123 : memref<1x16x64xf32, #tpu.memory_space<vmem>> -> memref<16x64xf32, #tpu.memory_space<vmem>>
        %dma_wait3A_125 = arith.constant 0 : i32
        %dma_wait3A_126 = arith.constant 0 : i32
        %dma_wait3A_127 = tpu.memref_slice %arg5[%dma_wait3A_125, %dma_wait3A_126] : memref<100001x64xf32, #tpu.memory_space<hbm>> -> memref<16x64xf32, #tpu.memory_space<hbm>>
        tpu.wait_dma2 semaphore(%arg14 : memref<!tpu.dma_semaphore, #tpu.memory_space<semaphore_mem>>) src(%dma_wait3A_127 : memref<16x64xf32, #tpu.memory_space<hbm>>) dst(%dma_wait3A_124 : memref<16x64xf32, #tpu.memory_space<vmem>>)
        %while3A_128 = arith.constant 0 : i32
        scf.yield %while3A_128 : i32
      }
      %while3A_53 = arith.constant 1 : i32
      %while3A_54 = scf.for %while3A_112 = %while3A_50 to %while3A_46 step %while3A_53 iter_args(%while3A_113 = %while3A_52) -> (i32)  : i32 {
        %dma_wait3A = arith.constant 0 : i32
        %dma_wait3A_114 = arith.constant 0 : i32
        %dma_wait3A_115 = arith.constant 0 : i32
        %dma_wait3A_116 = tpu.memref_slice %arg10[%dma_wait3A, %dma_wait3A_114, %dma_wait3A_115] : memref<13x16x64xf32, #tpu.memory_space<vmem>> -> memref<1x16x64xf32, #tpu.memory_space<vmem>>
        %dma_wait3A_117 = tpu.memref_squeeze %dma_wait3A_116 : memref<1x16x64xf32, #tpu.memory_space<vmem>> -> memref<16x64xf32, #tpu.memory_space<vmem>>
        %dma_wait3A_118 = arith.constant 0 : i32
        %dma_wait3A_119 = arith.constant 0 : i32
        %dma_wait3A_120 = tpu.memref_slice %arg5[%dma_wait3A_118, %dma_wait3A_119] : memref<100001x64xf32, #tpu.memory_space<hbm>> -> memref<16x64xf32, #tpu.memory_space<hbm>>
        %dma_wait3A_121 = arith.constant 0 : i32
        %dma_wait3A_122 = arith.constant 0 : i32
        %dma_wait3A_123 = tpu.memref_slice %arg10[%dma_wait3A, %dma_wait3A_121, %dma_wait3A_122] : memref<13x16x64xf32, #tpu.memory_space<vmem>> -> memref<1x16x64xf32, #tpu.memory_space<vmem>>
        %dma_wait3A_124 = tpu.memref_squeeze %dma_wait3A_123 : memref<1x16x64xf32, #tpu.memory_space<vmem>> -> memref<16x64xf32, #tpu.memory_space<vmem>>
        %dma_wait3A_125 = arith.constant 0 : i32
        %dma_wait3A_126 = arith.constant 0 : i32
        %dma_wait3A_127 = tpu.memref_slice %arg5[%dma_wait3A_125, %dma_wait3A_126] : memref<100001x64xf32, #tpu.memory_space<hbm>> -> memref<16x64xf32, #tpu.memory_space<hbm>>
        tpu.wait_dma2 semaphore(%arg14 : memref<!tpu.dma_semaphore, #tpu.memory_space<semaphore_mem>>) src(%dma_wait3A_127 : memref<16x64xf32, #tpu.memory_space<hbm>>) dst(%dma_wait3A_124 : memref<16x64xf32, #tpu.memory_space<vmem>>)
        %while3A_128 = arith.constant 0 : i32
        scf.yield %while3A_128 : i32
      }
      %broadcast_in_dim3A_55 = arith.constant 0.000000e+00 : f32
      %broadcast_in_dim3A_56 = vector.broadcast %broadcast_in_dim3A_55 : f32 to vector<16xf32>
      %while3A_57 = arith.constant 0 : i32
      %while3A_58 = arith.subi %squeeze3A_31, %while3A_57 : i32
      %while3A_59 = arith.addi %while3A_57, %while3A_58 : i32
      %while3A_60 = arith.constant 1 : i32
      %while3A_61 = arith.divsi %while3A_58, %while3A_60 : i32
      %while3A_62 = arith.muli %while3A_61, %while3A_60 : i32
      %while3A_63 = arith.addi %while3A_57, %while3A_62 : i32
      %while3A_64 = arith.constant 1 : i32
      %while3A_65:4 = scf.for %while3A_112 = %while3A_57 to %while3A_63 step %while3A_64 iter_args(%while3A_113 = %broadcast_in_dim3A_56, %while3A_114 = %broadcast_in_dim3A_56, %while3A_115 = %broadcast_in_dim3A_56, %while3A_116 = %broadcast_in_dim3A_56) -> (vector<16xf32>, vector<16xf32>, vector<16xf32>, vector<16xf32>)  : i32 {
        %get3A_117 = arith.constant 0 : i32
        %get3A_118 = arith.index_cast %while3A_112 : i32 to index
        %get3A_119 = arith.index_cast %get3A_117 : i32 to index
        %get3A_120 = arith.constant 0 : index
        %get3A_121 = tpu.vector_load %arg10[%get3A_118, %get3A_119, %get3A_120] {strides = array<i32>} : memref<13x16x64xf32, #tpu.memory_space<vmem>>, vector<1x1x16xf32>,
        %get3A_122 = vector.shape_cast %get3A_121 : vector<1x1x16xf32> to vector<16xf32>
        %add3A_123 = arith.addf %while3A_113, %get3A_122 : vector<16xf32>
        %get3A_124 = arith.constant 0 : i32
        %get3A_125 = arith.index_cast %while3A_112 : i32 to index
        %get3A_126 = arith.index_cast %get3A_124 : i32 to index
        %get3A_127 = arith.constant 16 : index
        %get3A_128 = tpu.vector_load %arg10[%get3A_125, %get3A_126, %get3A_127] {strides = array<i32>} : memref<13x16x64xf32, #tpu.memory_space<vmem>>, vector<1x1x16xf32>,
        %get3A_129 = vector.shape_cast %get3A_128 : vector<1x1x16xf32> to vector<16xf32>
        %add3A_130 = arith.addf %while3A_114, %get3A_129 : vector<16xf32>
        %get3A_131 = arith.constant 0 : i32
        %get3A_132 = arith.index_cast %while3A_112 : i32 to index
        %get3A_133 = arith.index_cast %get3A_131 : i32 to index
        %get3A_134 = arith.constant 32 : index
        %get3A_135 = tpu.vector_load %arg10[%get3A_132, %get3A_133, %get3A_134] {strides = array<i32>} : memref<13x16x64xf32, #tpu.memory_space<vmem>>, vector<1x1x16xf32>,
        %get3A_136 = vector.shape_cast %get3A_135 : vector<1x1x16xf32> to vector<16xf32>
        %add3A_137 = arith.addf %while3A_115, %get3A_136 : vector<16xf32>
        %get3A_138 = arith.constant 0 : i32
        %get3A_139 = arith.index_cast %while3A_112 : i32 to index
        %get3A_140 = arith.index_cast %get3A_138 : i32 to index
        %get3A_141 = arith.constant 48 : index
        %get3A_142 = tpu.vector_load %arg10[%get3A_139, %get3A_140, %get3A_141] {strides = array<i32>} : memref<13x16x64xf32, #tpu.memory_space<vmem>>, vector<1x1x16xf32>,
        %get3A_143 = vector.shape_cast %get3A_142 : vector<1x1x16xf32> to vector<16xf32>
        %add3A_144 = arith.addf %while3A_116, %get3A_143 : vector<16xf32>
        %get3A_145 = arith.constant 1 : i32
        %get3A_146 = arith.index_cast %while3A_112 : i32 to index
        %get3A_147 = arith.index_cast %get3A_145 : i32 to index
        %get3A_148 = arith.constant 0 : index
        %get3A_149 = tpu.vector_load %arg10[%get3A_146, %get3A_147, %get3A_148] {strides = array<i32>} : memref<13x16x64xf32, #tpu.memory_space<vmem>>, vector<1x1x16xf32>,
        %get3A_150 = vector.shape_cast %get3A_149 : vector<1x1x16xf32> to vector<16xf32>
        %add3A_151 = arith.addf %add3A_123, %get3A_150 : vector<16xf32>
        %get3A_152 = arith.constant 1 : i32
        %get3A_153 = arith.index_cast %while3A_112 : i32 to index
        %get3A_154 = arith.index_cast %get3A_152 : i32 to index
        %get3A_155 = arith.constant 16 : index
        %get3A_156 = tpu.vector_load %arg10[%get3A_153, %get3A_154, %get3A_155] {strides = array<i32>} : memref<13x16x64xf32, #tpu.memory_space<vmem>>, vector<1x1x16xf32>,
        %get3A_157 = vector.shape_cast %get3A_156 : vector<1x1x16xf32> to vector<16xf32>
        %add3A_158 = arith.addf %add3A_130, %get3A_157 : vector<16xf32>
        %get3A_159 = arith.constant 1 : i32
        %get3A_160 = arith.index_cast %while3A_112 : i32 to index
        %get3A_161 = arith.index_cast %get3A_159 : i32 to index
        %get3A_162 = arith.constant 32 : index
        %get3A_163 = tpu.vector_load %arg10[%get3A_160, %get3A_161, %get3A_162] {strides = array<i32>} : memref<13x16x64xf32, #tpu.memory_space<vmem>>, vector<1x1x16xf32>,
        %get3A_164 = vector.shape_cast %get3A_163 : vector<1x1x16xf32> to vector<16xf32>
        %add3A_165 = arith.addf %add3A_137, %get3A_164 : vector<16xf32>
        %get3A_166 = arith.constant 1 : i32
        %get3A_167 = arith.index_cast %while3A_112 : i32 to index
        %get3A_168 = arith.index_cast %get3A_166 : i32 to index
        %get3A_169 = arith.constant 48 : index
        %get3A_170 = tpu.vector_load %arg10[%get3A_167, %get3A_168, %get3A_169] {strides = array<i32>} : memref<13x16x64xf32, #tpu.memory_space<vmem>>, vector<1x1x16xf32>,
        %get3A_171 = vector.shape_cast %get3A_170 : vector<1x1x16xf32> to vector<16xf32>
        %add3A_172 = arith.addf %add3A_144, %get3A_171 : vector<16xf32>
        %get3A_173 = arith.constant 2 : i32
        %get3A_174 = arith.index_cast %while3A_112 : i32 to index
        %get3A_175 = arith.index_cast %get3A_173 : i32 to index
        %get3A_176 = arith.constant 0 : index
        %get3A_177 = tpu.vector_load %arg10[%get3A_174, %get3A_175, %get3A_176] {strides = array<i32>} : memref<13x16x64xf32, #tpu.memory_space<vmem>>, vector<1x1x16xf32>,
        %get3A_178 = vector.shape_cast %get3A_177 : vector<1x1x16xf32> to vector<16xf32>
        %add3A_179 = arith.addf %add3A_151, %get3A_178 : vector<16xf32>
        %get3A_180 = arith.constant 2 : i32
        %get3A_181 = arith.index_cast %while3A_112 : i32 to index
        %get3A_182 = arith.index_cast %get3A_180 : i32 to index
        %get3A_183 = arith.constant 16 : index
        %get3A_184 = tpu.vector_load %arg10[%get3A_181, %get3A_182, %get3A_183] {strides = array<i32>} : memref<13x16x64xf32, #tpu.memory_space<vmem>>, vector<1x1x16xf32>,
        %get3A_185 = vector.shape_cast %get3A_184 : vector<1x1x16xf32> to vector<16xf32>
        %add3A_186 = arith.addf %add3A_158, %get3A_185 : vector<16xf32>
        %get3A_187 = arith.constant 2 : i32
        %get3A_188 = arith.index_cast %while3A_112 : i32 to index
        %get3A_189 = arith.index_cast %get3A_187 : i32 to index
        %get3A_190 = arith.constant 32 : index
        %get3A_191 = tpu.vector_load %arg10[%get3A_188, %get3A_189, %get3A_190] {strides = array<i32>} : memref<13x16x64xf32, #tpu.memory_space<vmem>>, vector<1x1x16xf32>,
        %get3A_192 = vector.shape_cast %get3A_191 : vector<1x1x16xf32> to vector<16xf32>
        %add3A_193 = arith.addf %add3A_165, %get3A_192 : vector<16xf32>
        %get3A_194 = arith.constant 2 : i32
        %get3A_195 = arith.index_cast %while3A_112 : i32 to index
        %get3A_196 = arith.index_cast %get3A_194 : i32 to index
        %get3A_197 = arith.constant 48 : index
        %get3A_198 = tpu.vector_load %arg10[%get3A_195, %get3A_196, %get3A_197] {strides = array<i32>} : memref<13x16x64xf32, #tpu.memory_space<vmem>>, vector<1x1x16xf32>,
        %get3A_199 = vector.shape_cast %get3A_198 : vector<1x1x16xf32> to vector<16xf32>
        %add3A_200 = arith.addf %add3A_172, %get3A_199 : vector<16xf32>
        %get3A_201 = arith.constant 3 : i32
        %get3A_202 = arith.index_cast %while3A_112 : i32 to index
        %get3A_203 = arith.index_cast %get3A_201 : i32 to index
        %get3A_204 = arith.constant 0 : index
        %get3A_205 = tpu.vector_load %arg10[%get3A_202, %get3A_203, %get3A_204] {strides = array<i32>} : memref<13x16x64xf32, #tpu.memory_space<vmem>>, vector<1x1x16xf32>,
        %get3A_206 = vector.shape_cast %get3A_205 : vector<1x1x16xf32> to vector<16xf32>
        %add3A_207 = arith.addf %add3A_179, %get3A_206 : vector<16xf32>
        %get3A_208 = arith.constant 3 : i32
        %get3A_209 = arith.index_cast %while3A_112 : i32 to index
        %get3A_210 = arith.index_cast %get3A_208 : i32 to index
        %get3A_211 = arith.constant 16 : index
        %get3A_212 = tpu.vector_load %arg10[%get3A_209, %get3A_210, %get3A_211] {strides = array<i32>} : memref<13x16x64xf32, #tpu.memory_space<vmem>>, vector<1x1x16xf32>,
        %get3A_213 = vector.shape_cast %get3A_212 : vector<1x1x16xf32> to vector<16xf32>
        %add3A_214 = arith.addf %add3A_186, %get3A_213 : vector<16xf32>
        %get3A_215 = arith.constant 3 : i32
        %get3A_216 = arith.index_cast %while3A_112 : i32 to index
        %get3A_217 = arith.index_cast %get3A_215 : i32 to index
        %get3A_218 = arith.constant 32 : index
        %get3A_219 = tpu.vector_load %arg10[%get3A_216, %get3A_217, %get3A_218] {strides = array<i32>} : memref<13x16x64xf32, #tpu.memory_space<vmem>>, vector<1x1x16xf32>,
        %get3A_220 = vector.shape_cast %get3A_219 : vector<1x1x16xf32> to vector<16xf32>
        %add3A_221 = arith.addf %add3A_193, %get3A_220 : vector<16xf32>
        %get3A_222 = arith.constant 3 : i32
        %get3A_223 = arith.index_cast %while3A_112 : i32 to index
        %get3A_224 = arith.index_cast %get3A_222 : i32 to index
        %get3A_225 = arith.constant 48 : index
        %get3A_226 = tpu.vector_load %arg10[%get3A_223, %get3A_224, %get3A_225] {strides = array<i32>} : memref<13x16x64xf32, #tpu.memory_space<vmem>>, vector<1x1x16xf32>,
        %get3A_227 = vector.shape_cast %get3A_226 : vector<1x1x16xf32> to vector<16xf32>
        %add3A_228 = arith.addf %add3A_200, %get3A_227 : vector<16xf32>
        %get3A_229 = arith.constant 4 : i32
        %get3A_230 = arith.index_cast %while3A_112 : i32 to index
        %get3A_231 = arith.index_cast %get3A_229 : i32 to index
        %get3A_232 = arith.constant 0 : index
        %get3A_233 = tpu.vector_load %arg10[%get3A_230, %get3A_231, %get3A_232] {strides = array<i32>} : memref<13x16x64xf32, #tpu.memory_space<vmem>>, vector<1x1x16xf32>,
        %get3A_234 = vector.shape_cast %get3A_233 : vector<1x1x16xf32> to vector<16xf32>
        %add3A_235 = arith.addf %add3A_207, %get3A_234 : vector<16xf32>
        %get3A_236 = arith.constant 4 : i32
        %get3A_237 = arith.index_cast %while3A_112 : i32 to index
        %get3A_238 = arith.index_cast %get3A_236 : i32 to index
        %get3A_239 = arith.constant 16 : index
        %get3A_240 = tpu.vector_load %arg10[%get3A_237, %get3A_238, %get3A_239] {strides = array<i32>} : memref<13x16x64xf32, #tpu.memory_space<vmem>>, vector<1x1x16xf32>,
        %get3A_241 = vector.shape_cast %get3A_240 : vector<1x1x16xf32> to vector<16xf32>
        %add3A_242 = arith.addf %add3A_214, %get3A_241 : vector<16xf32>
        %get3A_243 = arith.constant 4 : i32
        %get3A_244 = arith.index_cast %while3A_112 : i32 to index
        %get3A_245 = arith.index_cast %get3A_243 : i32 to index
        %get3A_246 = arith.constant 32 : index
        %get3A_247 = tpu.vector_load %arg10[%get3A_244, %get3A_245, %get3A_246] {strides = array<i32>} : memref<13x16x64xf32, #tpu.memory_space<vmem>>, vector<1x1x16xf32>,
        %get3A_248 = vector.shape_cast %get3A_247 : vector<1x1x16xf32> to vector<16xf32>
        %add3A_249 = arith.addf %add3A_221, %get3A_248 : vector<16xf32>
        %get3A_250 = arith.constant 4 : i32
        %get3A_251 = arith.index_cast %while3A_112 : i32 to index
        %get3A_252 = arith.index_cast %get3A_250 : i32 to index
        %get3A_253 = arith.constant 48 : index
        %get3A_254 = tpu.vector_load %arg10[%get3A_251, %get3A_252, %get3A_253] {strides = array<i32>} : memref<13x16x64xf32, #tpu.memory_space<vmem>>, vector<1x1x16xf32>,
        %get3A_255 = vector.shape_cast %get3A_254 : vector<1x1x16xf32> to vector<16xf32>
        %add3A_256 = arith.addf %add3A_228, %get3A_255 : vector<16xf32>
        %get3A_257 = arith.constant 5 : i32
        %get3A_258 = arith.index_cast %while3A_112 : i32 to index
        %get3A_259 = arith.index_cast %get3A_257 : i32 to index
        %get3A_260 = arith.constant 0 : index
        %get3A_261 = tpu.vector_load %arg10[%get3A_258, %get3A_259, %get3A_260] {strides = array<i32>} : memref<13x16x64xf32, #tpu.memory_space<vmem>>, vector<1x1x16xf32>,
        %get3A_262 = vector.shape_cast %get3A_261 : vector<1x1x16xf32> to vector<16xf32>
        %add3A_263 = arith.addf %add3A_235, %get3A_262 : vector<16xf32>
        %get3A_264 = arith.constant 5 : i32
        %get3A_265 = arith.index_cast %while3A_112 : i32 to index
        %get3A_266 = arith.index_cast %get3A_264 : i32 to index
        %get3A_267 = arith.constant 16 : index
        %get3A_268 = tpu.vector_load %arg10[%get3A_265, %get3A_266, %get3A_267] {strides = array<i32>} : memref<13x16x64xf32, #tpu.memory_space<vmem>>, vector<1x1x16xf32>,
        %get3A_269 = vector.shape_cast %get3A_268 : vector<1x1x16xf32> to vector<16xf32>
        %add3A_270 = arith.addf %add3A_242, %get3A_269 : vector<16xf32>
        %get3A_271 = arith.constant 5 : i32
        %get3A_272 = arith.index_cast %while3A_112 : i32 to index
        %get3A_273 = arith.index_cast %get3A_271 : i32 to index
        %get3A_274 = arith.constant 32 : index
        %get3A_275 = tpu.vector_load %arg10[%get3A_272, %get3A_273, %get3A_274] {strides = array<i32>} : memref<13x16x64xf32, #tpu.memory_space<vmem>>, vector<1x1x16xf32>,
        %get3A_276 = vector.shape_cast %get3A_275 : vector<1x1x16xf32> to vector<16xf32>
        %add3A_277 = arith.addf %add3A_249, %get3A_276 : vector<16xf32>
        %get3A_278 = arith.constant 5 : i32
        %get3A_279 = arith.index_cast %while3A_112 : i32 to index
        %get3A_280 = arith.index_cast %get3A_278 : i32 to index
        %get3A_281 = arith.constant 48 : index
        %get3A_282 = tpu.vector_load %arg10[%get3A_279, %get3A_280, %get3A_281] {strides = array<i32>} : memref<13x16x64xf32, #tpu.memory_space<vmem>>, vector<1x1x16xf32>,
        %get3A_283 = vector.shape_cast %get3A_282 : vector<1x1x16xf32> to vector<16xf32>
        %add3A_284 = arith.addf %add3A_256, %get3A_283 : vector<16xf32>
        %get3A_285 = arith.constant 6 : i32
        %get3A_286 = arith.index_cast %while3A_112 : i32 to index
        %get3A_287 = arith.index_cast %get3A_285 : i32 to index
        %get3A_288 = arith.constant 0 : index
        %get3A_289 = tpu.vector_load %arg10[%get3A_286, %get3A_287, %get3A_288] {strides = array<i32>} : memref<13x16x64xf32, #tpu.memory_space<vmem>>, vector<1x1x16xf32>,
        %get3A_290 = vector.shape_cast %get3A_289 : vector<1x1x16xf32> to vector<16xf32>
        %add3A_291 = arith.addf %add3A_263, %get3A_290 : vector<16xf32>
        %get3A_292 = arith.constant 6 : i32
        %get3A_293 = arith.index_cast %while3A_112 : i32 to index
        %get3A_294 = arith.index_cast %get3A_292 : i32 to index
        %get3A_295 = arith.constant 16 : index
        %get3A_296 = tpu.vector_load %arg10[%get3A_293, %get3A_294, %get3A_295] {strides = array<i32>} : memref<13x16x64xf32, #tpu.memory_space<vmem>>, vector<1x1x16xf32>,
        %get3A_297 = vector.shape_cast %get3A_296 : vector<1x1x16xf32> to vector<16xf32>
        %add3A_298 = arith.addf %add3A_270, %get3A_297 : vector<16xf32>
        %get3A_299 = arith.constant 6 : i32
        %get3A_300 = arith.index_cast %while3A_112 : i32 to index
        %get3A_301 = arith.index_cast %get3A_299 : i32 to index
        %get3A_302 = arith.constant 32 : index
        %get3A_303 = tpu.vector_load %arg10[%get3A_300, %get3A_301, %get3A_302] {strides = array<i32>} : memref<13x16x64xf32, #tpu.memory_space<vmem>>, vector<1x1x16xf32>,
        %get3A_304 = vector.shape_cast %get3A_303 : vector<1x1x16xf32> to vector<16xf32>
        %add3A_305 = arith.addf %add3A_277, %get3A_304 : vector<16xf32>
        %get3A_306 = arith.constant 6 : i32
        %get3A_307 = arith.index_cast %while3A_112 : i32 to index
        %get3A_308 = arith.index_cast %get3A_306 : i32 to index
        %get3A_309 = arith.constant 48 : index
        %get3A_310 = tpu.vector_load %arg10[%get3A_307, %get3A_308, %get3A_309] {strides = array<i32>} : memref<13x16x64xf32, #tpu.memory_space<vmem>>, vector<1x1x16xf32>,
        %get3A_311 = vector.shape_cast %get3A_310 : vector<1x1x16xf32> to vector<16xf32>
        %add3A_312 = arith.addf %add3A_284, %get3A_311 : vector<16xf32>
        %get3A_313 = arith.constant 7 : i32
        %get3A_314 = arith.index_cast %while3A_112 : i32 to index
        %get3A_315 = arith.index_cast %get3A_313 : i32 to index
        %get3A_316 = arith.constant 0 : index
        %get3A_317 = tpu.vector_load %arg10[%get3A_314, %get3A_315, %get3A_316] {strides = array<i32>} : memref<13x16x64xf32, #tpu.memory_space<vmem>>, vector<1x1x16xf32>,
        %get3A_318 = vector.shape_cast %get3A_317 : vector<1x1x16xf32> to vector<16xf32>
        %add3A_319 = arith.addf %add3A_291, %get3A_318 : vector<16xf32>
        %get3A_320 = arith.constant 7 : i32
        %get3A_321 = arith.index_cast %while3A_112 : i32 to index
        %get3A_322 = arith.index_cast %get3A_320 : i32 to index
        %get3A_323 = arith.constant 16 : index
        %get3A_324 = tpu.vector_load %arg10[%get3A_321, %get3A_322, %get3A_323] {strides = array<i32>} : memref<13x16x64xf32, #tpu.memory_space<vmem>>, vector<1x1x16xf32>,
        %get3A_325 = vector.shape_cast %get3A_324 : vector<1x1x16xf32> to vector<16xf32>
        %add3A_326 = arith.addf %add3A_298, %get3A_325 : vector<16xf32>
        %get3A_327 = arith.constant 7 : i32
        %get3A_328 = arith.index_cast %while3A_112 : i32 to index
        %get3A_329 = arith.index_cast %get3A_327 : i32 to index
        %get3A_330 = arith.constant 32 : index
        %get3A_331 = tpu.vector_load %arg10[%get3A_328, %get3A_329, %get3A_330] {strides = array<i32>} : memref<13x16x64xf32, #tpu.memory_space<vmem>>, vector<1x1x16xf32>,
        %get3A_332 = vector.shape_cast %get3A_331 : vector<1x1x16xf32> to vector<16xf32>
        %add3A_333 = arith.addf %add3A_305, %get3A_332 : vector<16xf32>
        %get3A_334 = arith.constant 7 : i32
        %get3A_335 = arith.index_cast %while3A_112 : i32 to index
        %get3A_336 = arith.index_cast %get3A_334 : i32 to index
        %get3A_337 = arith.constant 48 : index
        %get3A_338 = tpu.vector_load %arg10[%get3A_335, %get3A_336, %get3A_337] {strides = array<i32>} : memref<13x16x64xf32, #tpu.memory_space<vmem>>, vector<1x1x16xf32>,
        %get3A_339 = vector.shape_cast %get3A_338 : vector<1x1x16xf32> to vector<16xf32>
        %add3A_340 = arith.addf %add3A_312, %get3A_339 : vector<16xf32>
        %get3A_341 = arith.constant 8 : i32
        %get3A_342 = arith.index_cast %while3A_112 : i32 to index
        %get3A_343 = arith.index_cast %get3A_341 : i32 to index
        %get3A_344 = arith.constant 0 : index
        %get3A_345 = tpu.vector_load %arg10[%get3A_342, %get3A_343, %get3A_344] {strides = array<i32>} : memref<13x16x64xf32, #tpu.memory_space<vmem>>, vector<1x1x16xf32>,
        %get3A_346 = vector.shape_cast %get3A_345 : vector<1x1x16xf32> to vector<16xf32>
        %add3A_347 = arith.addf %add3A_319, %get3A_346 : vector<16xf32>
        %get3A_348 = arith.constant 8 : i32
        %get3A_349 = arith.index_cast %while3A_112 : i32 to index
        %get3A_350 = arith.index_cast %get3A_348 : i32 to index
        %get3A_351 = arith.constant 16 : index
        %get3A_352 = tpu.vector_load %arg10[%get3A_349, %get3A_350, %get3A_351] {strides = array<i32>} : memref<13x16x64xf32, #tpu.memory_space<vmem>>, vector<1x1x16xf32>,
        %get3A_353 = vector.shape_cast %get3A_352 : vector<1x1x16xf32> to vector<16xf32>
        %add3A_354 = arith.addf %add3A_326, %get3A_353 : vector<16xf32>
        %get3A_355 = arith.constant 8 : i32
        %get3A_356 = arith.index_cast %while3A_112 : i32 to index
        %get3A_357 = arith.index_cast %get3A_355 : i32 to index
        %get3A_358 = arith.constant 32 : index
        %get3A_359 = tpu.vector_load %arg10[%get3A_356, %get3A_357, %get3A_358] {strides = array<i32>} : memref<13x16x64xf32, #tpu.memory_space<vmem>>, vector<1x1x16xf32>,
        %get3A_360 = vector.shape_cast %get3A_359 : vector<1x1x16xf32> to vector<16xf32>
        %add3A_361 = arith.addf %add3A_333, %get3A_360 : vector<16xf32>
        %get3A_362 = arith.constant 8 : i32
        %get3A_363 = arith.index_cast %while3A_112 : i32 to index
        %get3A_364 = arith.index_cast %get3A_362 : i32 to index
        %get3A_365 = arith.constant 48 : index
        %get3A_366 = tpu.vector_load %arg10[%get3A_363, %get3A_364, %get3A_365] {strides = array<i32>} : memref<13x16x64xf32, #tpu.memory_space<vmem>>, vector<1x1x16xf32>,
        %get3A_367 = vector.shape_cast %get3A_366 : vector<1x1x16xf32> to vector<16xf32>
        %add3A_368 = arith.addf %add3A_340, %get3A_367 : vector<16xf32>
        %get3A_369 = arith.constant 9 : i32
        %get3A_370 = arith.index_cast %while3A_112 : i32 to index
        %get3A_371 = arith.index_cast %get3A_369 : i32 to index
        %get3A_372 = arith.constant 0 : index
        %get3A_373 = tpu.vector_load %arg10[%get3A_370, %get3A_371, %get3A_372] {strides = array<i32>} : memref<13x16x64xf32, #tpu.memory_space<vmem>>, vector<1x1x16xf32>,
        %get3A_374 = vector.shape_cast %get3A_373 : vector<1x1x16xf32> to vector<16xf32>
        %add3A_375 = arith.addf %add3A_347, %get3A_374 : vector<16xf32>
        %get3A_376 = arith.constant 9 : i32
        %get3A_377 = arith.index_cast %while3A_112 : i32 to index
        %get3A_378 = arith.index_cast %get3A_376 : i32 to index
        %get3A_379 = arith.constant 16 : index
        %get3A_380 = tpu.vector_load %arg10[%get3A_377, %get3A_378, %get3A_379] {strides = array<i32>} : memref<13x16x64xf32, #tpu.memory_space<vmem>>, vector<1x1x16xf32>,
        %get3A_381 = vector.shape_cast %get3A_380 : vector<1x1x16xf32> to vector<16xf32>
        %add3A_382 = arith.addf %add3A_354, %get3A_381 : vector<16xf32>
        %get3A_383 = arith.constant 9 : i32
        %get3A_384 = arith.index_cast %while3A_112 : i32 to index
        %get3A_385 = arith.index_cast %get3A_383 : i32 to index
        %get3A_386 = arith.constant 32 : index
        %get3A_387 = tpu.vector_load %arg10[%get3A_384, %get3A_385, %get3A_386] {strides = array<i32>} : memref<13x16x64xf32, #tpu.memory_space<vmem>>, vector<1x1x16xf32>,
        %get3A_388 = vector.shape_cast %get3A_387 : vector<1x1x16xf32> to vector<16xf32>
        %add3A_389 = arith.addf %add3A_361, %get3A_388 : vector<16xf32>
        %get3A_390 = arith.constant 9 : i32
        %get3A_391 = arith.index_cast %while3A_112 : i32 to index
        %get3A_392 = arith.index_cast %get3A_390 : i32 to index
        %get3A_393 = arith.constant 48 : index
        %get3A_394 = tpu.vector_load %arg10[%get3A_391, %get3A_392, %get3A_393] {strides = array<i32>} : memref<13x16x64xf32, #tpu.memory_space<vmem>>, vector<1x1x16xf32>,
        %get3A_395 = vector.shape_cast %get3A_394 : vector<1x1x16xf32> to vector<16xf32>
        %add3A_396 = arith.addf %add3A_368, %get3A_395 : vector<16xf32>
        %get3A_397 = arith.constant 10 : i32
        %get3A_398 = arith.index_cast %while3A_112 : i32 to index
        %get3A_399 = arith.index_cast %get3A_397 : i32 to index
        %get3A_400 = arith.constant 0 : index
        %get3A_401 = tpu.vector_load %arg10[%get3A_398, %get3A_399, %get3A_400] {strides = array<i32>} : memref<13x16x64xf32, #tpu.memory_space<vmem>>, vector<1x1x16xf32>,
        %get3A_402 = vector.shape_cast %get3A_401 : vector<1x1x16xf32> to vector<16xf32>
        %add3A_403 = arith.addf %add3A_375, %get3A_402 : vector<16xf32>
        %get3A_404 = arith.constant 10 : i32
        %get3A_405 = arith.index_cast %while3A_112 : i32 to index
        %get3A_406 = arith.index_cast %get3A_404 : i32 to index
        %get3A_407 = arith.constant 16 : index
        %get3A_408 = tpu.vector_load %arg10[%get3A_405, %get3A_406, %get3A_407] {strides = array<i32>} : memref<13x16x64xf32, #tpu.memory_space<vmem>>, vector<1x1x16xf32>,
        %get3A_409 = vector.shape_cast %get3A_408 : vector<1x1x16xf32> to vector<16xf32>
        %add3A_410 = arith.addf %add3A_382, %get3A_409 : vector<16xf32>
        %get3A_411 = arith.constant 10 : i32
        %get3A_412 = arith.index_cast %while3A_112 : i32 to index
        %get3A_413 = arith.index_cast %get3A_411 : i32 to index
        %get3A_414 = arith.constant 32 : index
        %get3A_415 = tpu.vector_load %arg10[%get3A_412, %get3A_413, %get3A_414] {strides = array<i32>} : memref<13x16x64xf32, #tpu.memory_space<vmem>>, vector<1x1x16xf32>,
        %get3A_416 = vector.shape_cast %get3A_415 : vector<1x1x16xf32> to vector<16xf32>
        %add3A_417 = arith.addf %add3A_389, %get3A_416 : vector<16xf32>
        %get3A_418 = arith.constant 10 : i32
        %get3A_419 = arith.index_cast %while3A_112 : i32 to index
        %get3A_420 = arith.index_cast %get3A_418 : i32 to index
        %get3A_421 = arith.constant 48 : index
        %get3A_422 = tpu.vector_load %arg10[%get3A_419, %get3A_420, %get3A_421] {strides = array<i32>} : memref<13x16x64xf32, #tpu.memory_space<vmem>>, vector<1x1x16xf32>,
        %get3A_423 = vector.shape_cast %get3A_422 : vector<1x1x16xf32> to vector<16xf32>
        %add3A_424 = arith.addf %add3A_396, %get3A_423 : vector<16xf32>
        %get3A_425 = arith.constant 11 : i32
        %get3A_426 = arith.index_cast %while3A_112 : i32 to index
        %get3A_427 = arith.index_cast %get3A_425 : i32 to index
        %get3A_428 = arith.constant 0 : index
        %get3A_429 = tpu.vector_load %arg10[%get3A_426, %get3A_427, %get3A_428] {strides = array<i32>} : memref<13x16x64xf32, #tpu.memory_space<vmem>>, vector<1x1x16xf32>,
        %get3A_430 = vector.shape_cast %get3A_429 : vector<1x1x16xf32> to vector<16xf32>
        %add3A_431 = arith.addf %add3A_403, %get3A_430 : vector<16xf32>
        %get3A_432 = arith.constant 11 : i32
        %get3A_433 = arith.index_cast %while3A_112 : i32 to index
        %get3A_434 = arith.index_cast %get3A_432 : i32 to index
        %get3A_435 = arith.constant 16 : index
        %get3A_436 = tpu.vector_load %arg10[%get3A_433, %get3A_434, %get3A_435] {strides = array<i32>} : memref<13x16x64xf32, #tpu.memory_space<vmem>>, vector<1x1x16xf32>,
        %get3A_437 = vector.shape_cast %get3A_436 : vector<1x1x16xf32> to vector<16xf32>
        %add3A_438 = arith.addf %add3A_410, %get3A_437 : vector<16xf32>
        %get3A_439 = arith.constant 11 : i32
        %get3A_440 = arith.index_cast %while3A_112 : i32 to index
        %get3A_441 = arith.index_cast %get3A_439 : i32 to index
        %get3A_442 = arith.constant 32 : index
        %get3A_443 = tpu.vector_load %arg10[%get3A_440, %get3A_441, %get3A_442] {strides = array<i32>} : memref<13x16x64xf32, #tpu.memory_space<vmem>>, vector<1x1x16xf32>,
        %get3A_444 = vector.shape_cast %get3A_443 : vector<1x1x16xf32> to vector<16xf32>
        %add3A_445 = arith.addf %add3A_417, %get3A_444 : vector<16xf32>
        %get3A_446 = arith.constant 11 : i32
        %get3A_447 = arith.index_cast %while3A_112 : i32 to index
        %get3A_448 = arith.index_cast %get3A_446 : i32 to index
        %get3A_449 = arith.constant 48 : index
        %get3A_450 = tpu.vector_load %arg10[%get3A_447, %get3A_448, %get3A_449] {strides = array<i32>} : memref<13x16x64xf32, #tpu.memory_space<vmem>>, vector<1x1x16xf32>,
        %get3A_451 = vector.shape_cast %get3A_450 : vector<1x1x16xf32> to vector<16xf32>
        %add3A_452 = arith.addf %add3A_424, %get3A_451 : vector<16xf32>
        %get3A_453 = arith.constant 12 : i32
        %get3A_454 = arith.index_cast %while3A_112 : i32 to index
        %get3A_455 = arith.index_cast %get3A_453 : i32 to index
        %get3A_456 = arith.constant 0 : index
        %get3A_457 = tpu.vector_load %arg10[%get3A_454, %get3A_455, %get3A_456] {strides = array<i32>} : memref<13x16x64xf32, #tpu.memory_space<vmem>>, vector<1x1x16xf32>,
        %get3A_458 = vector.shape_cast %get3A_457 : vector<1x1x16xf32> to vector<16xf32>
        %add3A_459 = arith.addf %add3A_431, %get3A_458 : vector<16xf32>
        %get3A_460 = arith.constant 12 : i32
        %get3A_461 = arith.index_cast %while3A_112 : i32 to index
        %get3A_462 = arith.index_cast %get3A_460 : i32 to index
        %get3A_463 = arith.constant 16 : index
        %get3A_464 = tpu.vector_load %arg10[%get3A_461, %get3A_462, %get3A_463] {strides = array<i32>} : memref<13x16x64xf32, #tpu.memory_space<vmem>>, vector<1x1x16xf32>,
        %get3A_465 = vector.shape_cast %get3A_464 : vector<1x1x16xf32> to vector<16xf32>
        %add3A_466 = arith.addf %add3A_438, %get3A_465 : vector<16xf32>
        %get3A_467 = arith.constant 12 : i32
        %get3A_468 = arith.index_cast %while3A_112 : i32 to index
        %get3A_469 = arith.index_cast %get3A_467 : i32 to index
        %get3A_470 = arith.constant 32 : index
        %get3A_471 = tpu.vector_load %arg10[%get3A_468, %get3A_469, %get3A_470] {strides = array<i32>} : memref<13x16x64xf32, #tpu.memory_space<vmem>>, vector<1x1x16xf32>,
        %get3A_472 = vector.shape_cast %get3A_471 : vector<1x1x16xf32> to vector<16xf32>
        %add3A_473 = arith.addf %add3A_445, %get3A_472 : vector<16xf32>
        %get3A_474 = arith.constant 12 : i32
        %get3A_475 = arith.index_cast %while3A_112 : i32 to index
        %get3A_476 = arith.index_cast %get3A_474 : i32 to index
        %get3A_477 = arith.constant 48 : index
        %get3A_478 = tpu.vector_load %arg10[%get3A_475, %get3A_476, %get3A_477] {strides = array<i32>} : memref<13x16x64xf32, #tpu.memory_space<vmem>>, vector<1x1x16xf32>,
        %get3A_479 = vector.shape_cast %get3A_478 : vector<1x1x16xf32> to vector<16xf32>
        %add3A_480 = arith.addf %add3A_452, %get3A_479 : vector<16xf32>
        %get3A_481 = arith.constant 13 : i32
        %get3A_482 = arith.index_cast %while3A_112 : i32 to index
        %get3A_483 = arith.index_cast %get3A_481 : i32 to index
        %get3A_484 = arith.constant 0 : index
        %get3A_485 = tpu.vector_load %arg10[%get3A_482, %get3A_483, %get3A_484] {strides = array<i32>} : memref<13x16x64xf32, #tpu.memory_space<vmem>>, vector<1x1x16xf32>,
        %get3A_486 = vector.shape_cast %get3A_485 : vector<1x1x16xf32> to vector<16xf32>
        %add3A_487 = arith.addf %add3A_459, %get3A_486 : vector<16xf32>
        %get3A_488 = arith.constant 13 : i32
        %get3A_489 = arith.index_cast %while3A_112 : i32 to index
        %get3A_490 = arith.index_cast %get3A_488 : i32 to index
        %get3A_491 = arith.constant 16 : index
        %get3A_492 = tpu.vector_load %arg10[%get3A_489, %get3A_490, %get3A_491] {strides = array<i32>} : memref<13x16x64xf32, #tpu.memory_space<vmem>>, vector<1x1x16xf32>,
        %get3A_493 = vector.shape_cast %get3A_492 : vector<1x1x16xf32> to vector<16xf32>
        %add3A_494 = arith.addf %add3A_466, %get3A_493 : vector<16xf32>
        %get3A_495 = arith.constant 13 : i32
        %get3A_496 = arith.index_cast %while3A_112 : i32 to index
        %get3A_497 = arith.index_cast %get3A_495 : i32 to index
        %get3A_498 = arith.constant 32 : index
        %get3A_499 = tpu.vector_load %arg10[%get3A_496, %get3A_497, %get3A_498] {strides = array<i32>} : memref<13x16x64xf32, #tpu.memory_space<vmem>>, vector<1x1x16xf32>,
        %get3A_500 = vector.shape_cast %get3A_499 : vector<1x1x16xf32> to vector<16xf32>
        %add3A_501 = arith.addf %add3A_473, %get3A_500 : vector<16xf32>
        %get3A_502 = arith.constant 13 : i32
        %get3A_503 = arith.index_cast %while3A_112 : i32 to index
        %get3A_504 = arith.index_cast %get3A_502 : i32 to index
        %get3A_505 = arith.constant 48 : index
        %get3A_506 = tpu.vector_load %arg10[%get3A_503, %get3A_504, %get3A_505] {strides = array<i32>} : memref<13x16x64xf32, #tpu.memory_space<vmem>>, vector<1x1x16xf32>,
        %get3A_507 = vector.shape_cast %get3A_506 : vector<1x1x16xf32> to vector<16xf32>
        %add3A_508 = arith.addf %add3A_480, %get3A_507 : vector<16xf32>
        %get3A_509 = arith.constant 14 : i32
        %get3A_510 = arith.index_cast %while3A_112 : i32 to index
        %get3A_511 = arith.index_cast %get3A_509 : i32 to index
        %get3A_512 = arith.constant 0 : index
        %get3A_513 = tpu.vector_load %arg10[%get3A_510, %get3A_511, %get3A_512] {strides = array<i32>} : memref<13x16x64xf32, #tpu.memory_space<vmem>>, vector<1x1x16xf32>,
        %get3A_514 = vector.shape_cast %get3A_513 : vector<1x1x16xf32> to vector<16xf32>
        %add3A_515 = arith.addf %add3A_487, %get3A_514 : vector<16xf32>
        %get3A_516 = arith.constant 14 : i32
        %get3A_517 = arith.index_cast %while3A_112 : i32 to index
        %get3A_518 = arith.index_cast %get3A_516 : i32 to index
        %get3A_519 = arith.constant 16 : index
        %get3A_520 = tpu.vector_load %arg10[%get3A_517, %get3A_518, %get3A_519] {strides = array<i32>} : memref<13x16x64xf32, #tpu.memory_space<vmem>>, vector<1x1x16xf32>,
        %get3A_521 = vector.shape_cast %get3A_520 : vector<1x1x16xf32> to vector<16xf32>
        %add3A_522 = arith.addf %add3A_494, %get3A_521 : vector<16xf32>
        %get3A_523 = arith.constant 14 : i32
        %get3A_524 = arith.index_cast %while3A_112 : i32 to index
        %get3A_525 = arith.index_cast %get3A_523 : i32 to index
        %get3A_526 = arith.constant 32 : index
        %get3A_527 = tpu.vector_load %arg10[%get3A_524, %get3A_525, %get3A_526] {strides = array<i32>} : memref<13x16x64xf32, #tpu.memory_space<vmem>>, vector<1x1x16xf32>,
        %get3A_528 = vector.shape_cast %get3A_527 : vector<1x1x16xf32> to vector<16xf32>
        %add3A_529 = arith.addf %add3A_501, %get3A_528 : vector<16xf32>
        %get3A_530 = arith.constant 14 : i32
        %get3A_531 = arith.index_cast %while3A_112 : i32 to index
        %get3A_532 = arith.index_cast %get3A_530 : i32 to index
        %get3A_533 = arith.constant 48 : index
        %get3A_534 = tpu.vector_load %arg10[%get3A_531, %get3A_532, %get3A_533] {strides = array<i32>} : memref<13x16x64xf32, #tpu.memory_space<vmem>>, vector<1x1x16xf32>,
        %get3A_535 = vector.shape_cast %get3A_534 : vector<1x1x16xf32> to vector<16xf32>
        %add3A_536 = arith.addf %add3A_508, %get3A_535 : vector<16xf32>
        %get3A_537 = arith.constant 15 : i32
        %get3A_538 = arith.index_cast %while3A_112 : i32 to index
        %get3A_539 = arith.index_cast %get3A_537 : i32 to index
        %get3A_540 = arith.constant 0 : index
        %get3A_541 = tpu.vector_load %arg10[%get3A_538, %get3A_539, %get3A_540] {strides = array<i32>} : memref<13x16x64xf32, #tpu.memory_space<vmem>>, vector<1x1x16xf32>,
        %get3A_542 = vector.shape_cast %get3A_541 : vector<1x1x16xf32> to vector<16xf32>
        %add3A_543 = arith.addf %add3A_515, %get3A_542 : vector<16xf32>
        %get3A_544 = arith.constant 15 : i32
        %get3A_545 = arith.index_cast %while3A_112 : i32 to index
        %get3A_546 = arith.index_cast %get3A_544 : i32 to index
        %get3A_547 = arith.constant 16 : index
        %get3A_548 = tpu.vector_load %arg10[%get3A_545, %get3A_546, %get3A_547] {strides = array<i32>} : memref<13x16x64xf32, #tpu.memory_space<vmem>>, vector<1x1x16xf32>,
        %get3A_549 = vector.shape_cast %get3A_548 : vector<1x1x16xf32> to vector<16xf32>
        %add3A_550 = arith.addf %add3A_522, %get3A_549 : vector<16xf32>
        %get3A_551 = arith.constant 15 : i32
        %get3A_552 = arith.index_cast %while3A_112 : i32 to index
        %get3A_553 = arith.index_cast %get3A_551 : i32 to index
        %get3A_554 = arith.constant 32 : index
        %get3A_555 = tpu.vector_load %arg10[%get3A_552, %get3A_553, %get3A_554] {strides = array<i32>} : memref<13x16x64xf32, #tpu.memory_space<vmem>>, vector<1x1x16xf32>,
        %get3A_556 = vector.shape_cast %get3A_555 : vector<1x1x16xf32> to vector<16xf32>
        %add3A_557 = arith.addf %add3A_529, %get3A_556 : vector<16xf32>
        %get3A_558 = arith.constant 15 : i32
        %get3A_559 = arith.index_cast %while3A_112 : i32 to index
        %get3A_560 = arith.index_cast %get3A_558 : i32 to index
        %get3A_561 = arith.constant 48 : index
        %get3A_562 = tpu.vector_load %arg10[%get3A_559, %get3A_560, %get3A_561] {strides = array<i32>} : memref<13x16x64xf32, #tpu.memory_space<vmem>>, vector<1x1x16xf32>,
        %get3A_563 = vector.shape_cast %get3A_562 : vector<1x1x16xf32> to vector<16xf32>
        %add3A_564 = arith.addf %add3A_536, %get3A_563 : vector<16xf32>
        scf.yield %add3A_543, %add3A_550, %add3A_557, %add3A_564 : vector<16xf32>, vector<16xf32>, vector<16xf32>, vector<16xf32>
      }
      %while3A_66 = arith.constant 1 : i32
      %while3A_67:4 = scf.for %while3A_112 = %while3A_63 to %while3A_59 step %while3A_66 iter_args(%while3A_113 = %while3A_65#0, %while3A_114 = %while3A_65#1, %while3A_115 = %while3A_65#2, %while3A_116 = %while3A_65#3) -> (vector<16xf32>, vector<16xf32>, vector<16xf32>, vector<16xf32>)  : i32 {
        %get3A_117 = arith.constant 0 : i32
        %get3A_118 = arith.index_cast %while3A_112 : i32 to index
        %get3A_119 = arith.index_cast %get3A_117 : i32 to index
        %get3A_120 = arith.constant 0 : index
        %get3A_121 = tpu.vector_load %arg10[%get3A_118, %get3A_119, %get3A_120] {strides = array<i32>} : memref<13x16x64xf32, #tpu.memory_space<vmem>>, vector<1x1x16xf32>,
        %get3A_122 = vector.shape_cast %get3A_121 : vector<1x1x16xf32> to vector<16xf32>
        %add3A_123 = arith.addf %while3A_113, %get3A_122 : vector<16xf32>
        %get3A_124 = arith.constant 0 : i32
        %get3A_125 = arith.index_cast %while3A_112 : i32 to index
        %get3A_126 = arith.index_cast %get3A_124 : i32 to index
        %get3A_127 = arith.constant 16 : index
        %get3A_128 = tpu.vector_load %arg10[%get3A_125, %get3A_126, %get3A_127] {strides = array<i32>} : memref<13x16x64xf32, #tpu.memory_space<vmem>>, vector<1x1x16xf32>,
        %get3A_129 = vector.shape_cast %get3A_128 : vector<1x1x16xf32> to vector<16xf32>
        %add3A_130 = arith.addf %while3A_114, %get3A_129 : vector<16xf32>
        %get3A_131 = arith.constant 0 : i32
        %get3A_132 = arith.index_cast %while3A_112 : i32 to index
        %get3A_133 = arith.index_cast %get3A_131 : i32 to index
        %get3A_134 = arith.constant 32 : index
        %get3A_135 = tpu.vector_load %arg10[%get3A_132, %get3A_133, %get3A_134] {strides = array<i32>} : memref<13x16x64xf32, #tpu.memory_space<vmem>>, vector<1x1x16xf32>,
        %get3A_136 = vector.shape_cast %get3A_135 : vector<1x1x16xf32> to vector<16xf32>
        %add3A_137 = arith.addf %while3A_115, %get3A_136 : vector<16xf32>
        %get3A_138 = arith.constant 0 : i32
        %get3A_139 = arith.index_cast %while3A_112 : i32 to index
        %get3A_140 = arith.index_cast %get3A_138 : i32 to index
        %get3A_141 = arith.constant 48 : index
        %get3A_142 = tpu.vector_load %arg10[%get3A_139, %get3A_140, %get3A_141] {strides = array<i32>} : memref<13x16x64xf32, #tpu.memory_space<vmem>>, vector<1x1x16xf32>,
        %get3A_143 = vector.shape_cast %get3A_142 : vector<1x1x16xf32> to vector<16xf32>
        %add3A_144 = arith.addf %while3A_116, %get3A_143 : vector<16xf32>
        %get3A_145 = arith.constant 1 : i32
        %get3A_146 = arith.index_cast %while3A_112 : i32 to index
        %get3A_147 = arith.index_cast %get3A_145 : i32 to index
        %get3A_148 = arith.constant 0 : index
        %get3A_149 = tpu.vector_load %arg10[%get3A_146, %get3A_147, %get3A_148] {strides = array<i32>} : memref<13x16x64xf32, #tpu.memory_space<vmem>>, vector<1x1x16xf32>,
        %get3A_150 = vector.shape_cast %get3A_149 : vector<1x1x16xf32> to vector<16xf32>
        %add3A_151 = arith.addf %add3A_123, %get3A_150 : vector<16xf32>
        %get3A_152 = arith.constant 1 : i32
        %get3A_153 = arith.index_cast %while3A_112 : i32 to index
        %get3A_154 = arith.index_cast %get3A_152 : i32 to index
        %get3A_155 = arith.constant 16 : index
        %get3A_156 = tpu.vector_load %arg10[%get3A_153, %get3A_154, %get3A_155] {strides = array<i32>} : memref<13x16x64xf32, #tpu.memory_space<vmem>>, vector<1x1x16xf32>,
        %get3A_157 = vector.shape_cast %get3A_156 : vector<1x1x16xf32> to vector<16xf32>
        %add3A_158 = arith.addf %add3A_130, %get3A_157 : vector<16xf32>
        %get3A_159 = arith.constant 1 : i32
        %get3A_160 = arith.index_cast %while3A_112 : i32 to index
        %get3A_161 = arith.index_cast %get3A_159 : i32 to index
        %get3A_162 = arith.constant 32 : index
        %get3A_163 = tpu.vector_load %arg10[%get3A_160, %get3A_161, %get3A_162] {strides = array<i32>} : memref<13x16x64xf32, #tpu.memory_space<vmem>>, vector<1x1x16xf32>,
        %get3A_164 = vector.shape_cast %get3A_163 : vector<1x1x16xf32> to vector<16xf32>
        %add3A_165 = arith.addf %add3A_137, %get3A_164 : vector<16xf32>
        %get3A_166 = arith.constant 1 : i32
        %get3A_167 = arith.index_cast %while3A_112 : i32 to index
        %get3A_168 = arith.index_cast %get3A_166 : i32 to index
        %get3A_169 = arith.constant 48 : index
        %get3A_170 = tpu.vector_load %arg10[%get3A_167, %get3A_168, %get3A_169] {strides = array<i32>} : memref<13x16x64xf32, #tpu.memory_space<vmem>>, vector<1x1x16xf32>,
        %get3A_171 = vector.shape_cast %get3A_170 : vector<1x1x16xf32> to vector<16xf32>
        %add3A_172 = arith.addf %add3A_144, %get3A_171 : vector<16xf32>
        %get3A_173 = arith.constant 2 : i32
        %get3A_174 = arith.index_cast %while3A_112 : i32 to index
        %get3A_175 = arith.index_cast %get3A_173 : i32 to index
        %get3A_176 = arith.constant 0 : index
        %get3A_177 = tpu.vector_load %arg10[%get3A_174, %get3A_175, %get3A_176] {strides = array<i32>} : memref<13x16x64xf32, #tpu.memory_space<vmem>>, vector<1x1x16xf32>,
        %get3A_178 = vector.shape_cast %get3A_177 : vector<1x1x16xf32> to vector<16xf32>
        %add3A_179 = arith.addf %add3A_151, %get3A_178 : vector<16xf32>
        %get3A_180 = arith.constant 2 : i32
        %get3A_181 = arith.index_cast %while3A_112 : i32 to index
        %get3A_182 = arith.index_cast %get3A_180 : i32 to index
        %get3A_183 = arith.constant 16 : index
        %get3A_184 = tpu.vector_load %arg10[%get3A_181, %get3A_182, %get3A_183] {strides = array<i32>} : memref<13x16x64xf32, #tpu.memory_space<vmem>>, vector<1x1x16xf32>,
        %get3A_185 = vector.shape_cast %get3A_184 : vector<1x1x16xf32> to vector<16xf32>
        %add3A_186 = arith.addf %add3A_158, %get3A_185 : vector<16xf32>
        %get3A_187 = arith.constant 2 : i32
        %get3A_188 = arith.index_cast %while3A_112 : i32 to index
        %get3A_189 = arith.index_cast %get3A_187 : i32 to index
        %get3A_190 = arith.constant 32 : index
        %get3A_191 = tpu.vector_load %arg10[%get3A_188, %get3A_189, %get3A_190] {strides = array<i32>} : memref<13x16x64xf32, #tpu.memory_space<vmem>>, vector<1x1x16xf32>,
        %get3A_192 = vector.shape_cast %get3A_191 : vector<1x1x16xf32> to vector<16xf32>
        %add3A_193 = arith.addf %add3A_165, %get3A_192 : vector<16xf32>
        %get3A_194 = arith.constant 2 : i32
        %get3A_195 = arith.index_cast %while3A_112 : i32 to index
        %get3A_196 = arith.index_cast %get3A_194 : i32 to index
        %get3A_197 = arith.constant 48 : index
        %get3A_198 = tpu.vector_load %arg10[%get3A_195, %get3A_196, %get3A_197] {strides = array<i32>} : memref<13x16x64xf32, #tpu.memory_space<vmem>>, vector<1x1x16xf32>,
        %get3A_199 = vector.shape_cast %get3A_198 : vector<1x1x16xf32> to vector<16xf32>
        %add3A_200 = arith.addf %add3A_172, %get3A_199 : vector<16xf32>
        %get3A_201 = arith.constant 3 : i32
        %get3A_202 = arith.index_cast %while3A_112 : i32 to index
        %get3A_203 = arith.index_cast %get3A_201 : i32 to index
        %get3A_204 = arith.constant 0 : index
        %get3A_205 = tpu.vector_load %arg10[%get3A_202, %get3A_203, %get3A_204] {strides = array<i32>} : memref<13x16x64xf32, #tpu.memory_space<vmem>>, vector<1x1x16xf32>,
        %get3A_206 = vector.shape_cast %get3A_205 : vector<1x1x16xf32> to vector<16xf32>
        %add3A_207 = arith.addf %add3A_179, %get3A_206 : vector<16xf32>
        %get3A_208 = arith.constant 3 : i32
        %get3A_209 = arith.index_cast %while3A_112 : i32 to index
        %get3A_210 = arith.index_cast %get3A_208 : i32 to index
        %get3A_211 = arith.constant 16 : index
        %get3A_212 = tpu.vector_load %arg10[%get3A_209, %get3A_210, %get3A_211] {strides = array<i32>} : memref<13x16x64xf32, #tpu.memory_space<vmem>>, vector<1x1x16xf32>,
        %get3A_213 = vector.shape_cast %get3A_212 : vector<1x1x16xf32> to vector<16xf32>
        %add3A_214 = arith.addf %add3A_186, %get3A_213 : vector<16xf32>
        %get3A_215 = arith.constant 3 : i32
        %get3A_216 = arith.index_cast %while3A_112 : i32 to index
        %get3A_217 = arith.index_cast %get3A_215 : i32 to index
        %get3A_218 = arith.constant 32 : index
        %get3A_219 = tpu.vector_load %arg10[%get3A_216, %get3A_217, %get3A_218] {strides = array<i32>} : memref<13x16x64xf32, #tpu.memory_space<vmem>>, vector<1x1x16xf32>,
        %get3A_220 = vector.shape_cast %get3A_219 : vector<1x1x16xf32> to vector<16xf32>
        %add3A_221 = arith.addf %add3A_193, %get3A_220 : vector<16xf32>
        %get3A_222 = arith.constant 3 : i32
        %get3A_223 = arith.index_cast %while3A_112 : i32 to index
        %get3A_224 = arith.index_cast %get3A_222 : i32 to index
        %get3A_225 = arith.constant 48 : index
        %get3A_226 = tpu.vector_load %arg10[%get3A_223, %get3A_224, %get3A_225] {strides = array<i32>} : memref<13x16x64xf32, #tpu.memory_space<vmem>>, vector<1x1x16xf32>,
        %get3A_227 = vector.shape_cast %get3A_226 : vector<1x1x16xf32> to vector<16xf32>
        %add3A_228 = arith.addf %add3A_200, %get3A_227 : vector<16xf32>
        %get3A_229 = arith.constant 4 : i32
        %get3A_230 = arith.index_cast %while3A_112 : i32 to index
        %get3A_231 = arith.index_cast %get3A_229 : i32 to index
        %get3A_232 = arith.constant 0 : index
        %get3A_233 = tpu.vector_load %arg10[%get3A_230, %get3A_231, %get3A_232] {strides = array<i32>} : memref<13x16x64xf32, #tpu.memory_space<vmem>>, vector<1x1x16xf32>,
        %get3A_234 = vector.shape_cast %get3A_233 : vector<1x1x16xf32> to vector<16xf32>
        %add3A_235 = arith.addf %add3A_207, %get3A_234 : vector<16xf32>
        %get3A_236 = arith.constant 4 : i32
        %get3A_237 = arith.index_cast %while3A_112 : i32 to index
        %get3A_238 = arith.index_cast %get3A_236 : i32 to index
        %get3A_239 = arith.constant 16 : index
        %get3A_240 = tpu.vector_load %arg10[%get3A_237, %get3A_238, %get3A_239] {strides = array<i32>} : memref<13x16x64xf32, #tpu.memory_space<vmem>>, vector<1x1x16xf32>,
        %get3A_241 = vector.shape_cast %get3A_240 : vector<1x1x16xf32> to vector<16xf32>
        %add3A_242 = arith.addf %add3A_214, %get3A_241 : vector<16xf32>
        %get3A_243 = arith.constant 4 : i32
        %get3A_244 = arith.index_cast %while3A_112 : i32 to index
        %get3A_245 = arith.index_cast %get3A_243 : i32 to index
        %get3A_246 = arith.constant 32 : index
        %get3A_247 = tpu.vector_load %arg10[%get3A_244, %get3A_245, %get3A_246] {strides = array<i32>} : memref<13x16x64xf32, #tpu.memory_space<vmem>>, vector<1x1x16xf32>,
        %get3A_248 = vector.shape_cast %get3A_247 : vector<1x1x16xf32> to vector<16xf32>
        %add3A_249 = arith.addf %add3A_221, %get3A_248 : vector<16xf32>
        %get3A_250 = arith.constant 4 : i32
        %get3A_251 = arith.index_cast %while3A_112 : i32 to index
        %get3A_252 = arith.index_cast %get3A_250 : i32 to index
        %get3A_253 = arith.constant 48 : index
        %get3A_254 = tpu.vector_load %arg10[%get3A_251, %get3A_252, %get3A_253] {strides = array<i32>} : memref<13x16x64xf32, #tpu.memory_space<vmem>>, vector<1x1x16xf32>,
        %get3A_255 = vector.shape_cast %get3A_254 : vector<1x1x16xf32> to vector<16xf32>
        %add3A_256 = arith.addf %add3A_228, %get3A_255 : vector<16xf32>
        %get3A_257 = arith.constant 5 : i32
        %get3A_258 = arith.index_cast %while3A_112 : i32 to index
        %get3A_259 = arith.index_cast %get3A_257 : i32 to index
        %get3A_260 = arith.constant 0 : index
        %get3A_261 = tpu.vector_load %arg10[%get3A_258, %get3A_259, %get3A_260] {strides = array<i32>} : memref<13x16x64xf32, #tpu.memory_space<vmem>>, vector<1x1x16xf32>,
        %get3A_262 = vector.shape_cast %get3A_261 : vector<1x1x16xf32> to vector<16xf32>
        %add3A_263 = arith.addf %add3A_235, %get3A_262 : vector<16xf32>
        %get3A_264 = arith.constant 5 : i32
        %get3A_265 = arith.index_cast %while3A_112 : i32 to index
        %get3A_266 = arith.index_cast %get3A_264 : i32 to index
        %get3A_267 = arith.constant 16 : index
        %get3A_268 = tpu.vector_load %arg10[%get3A_265, %get3A_266, %get3A_267] {strides = array<i32>} : memref<13x16x64xf32, #tpu.memory_space<vmem>>, vector<1x1x16xf32>,
        %get3A_269 = vector.shape_cast %get3A_268 : vector<1x1x16xf32> to vector<16xf32>
        %add3A_270 = arith.addf %add3A_242, %get3A_269 : vector<16xf32>
        %get3A_271 = arith.constant 5 : i32
        %get3A_272 = arith.index_cast %while3A_112 : i32 to index
        %get3A_273 = arith.index_cast %get3A_271 : i32 to index
        %get3A_274 = arith.constant 32 : index
        %get3A_275 = tpu.vector_load %arg10[%get3A_272, %get3A_273, %get3A_274] {strides = array<i32>} : memref<13x16x64xf32, #tpu.memory_space<vmem>>, vector<1x1x16xf32>,
        %get3A_276 = vector.shape_cast %get3A_275 : vector<1x1x16xf32> to vector<16xf32>
        %add3A_277 = arith.addf %add3A_249, %get3A_276 : vector<16xf32>
        %get3A_278 = arith.constant 5 : i32
        %get3A_279 = arith.index_cast %while3A_112 : i32 to index
        %get3A_280 = arith.index_cast %get3A_278 : i32 to index
        %get3A_281 = arith.constant 48 : index
        %get3A_282 = tpu.vector_load %arg10[%get3A_279, %get3A_280, %get3A_281] {strides = array<i32>} : memref<13x16x64xf32, #tpu.memory_space<vmem>>, vector<1x1x16xf32>,
        %get3A_283 = vector.shape_cast %get3A_282 : vector<1x1x16xf32> to vector<16xf32>
        %add3A_284 = arith.addf %add3A_256, %get3A_283 : vector<16xf32>
        %get3A_285 = arith.constant 6 : i32
        %get3A_286 = arith.index_cast %while3A_112 : i32 to index
        %get3A_287 = arith.index_cast %get3A_285 : i32 to index
        %get3A_288 = arith.constant 0 : index
        %get3A_289 = tpu.vector_load %arg10[%get3A_286, %get3A_287, %get3A_288] {strides = array<i32>} : memref<13x16x64xf32, #tpu.memory_space<vmem>>, vector<1x1x16xf32>,
        %get3A_290 = vector.shape_cast %get3A_289 : vector<1x1x16xf32> to vector<16xf32>
        %add3A_291 = arith.addf %add3A_263, %get3A_290 : vector<16xf32>
        %get3A_292 = arith.constant 6 : i32
        %get3A_293 = arith.index_cast %while3A_112 : i32 to index
        %get3A_294 = arith.index_cast %get3A_292 : i32 to index
        %get3A_295 = arith.constant 16 : index
        %get3A_296 = tpu.vector_load %arg10[%get3A_293, %get3A_294, %get3A_295] {strides = array<i32>} : memref<13x16x64xf32, #tpu.memory_space<vmem>>, vector<1x1x16xf32>,
        %get3A_297 = vector.shape_cast %get3A_296 : vector<1x1x16xf32> to vector<16xf32>
        %add3A_298 = arith.addf %add3A_270, %get3A_297 : vector<16xf32>
        %get3A_299 = arith.constant 6 : i32
        %get3A_300 = arith.index_cast %while3A_112 : i32 to index
        %get3A_301 = arith.index_cast %get3A_299 : i32 to index
        %get3A_302 = arith.constant 32 : index
        %get3A_303 = tpu.vector_load %arg10[%get3A_300, %get3A_301, %get3A_302] {strides = array<i32>} : memref<13x16x64xf32, #tpu.memory_space<vmem>>, vector<1x1x16xf32>,
        %get3A_304 = vector.shape_cast %get3A_303 : vector<1x1x16xf32> to vector<16xf32>
        %add3A_305 = arith.addf %add3A_277, %get3A_304 : vector<16xf32>
        %get3A_306 = arith.constant 6 : i32
        %get3A_307 = arith.index_cast %while3A_112 : i32 to index
        %get3A_308 = arith.index_cast %get3A_306 : i32 to index
        %get3A_309 = arith.constant 48 : index
        %get3A_310 = tpu.vector_load %arg10[%get3A_307, %get3A_308, %get3A_309] {strides = array<i32>} : memref<13x16x64xf32, #tpu.memory_space<vmem>>, vector<1x1x16xf32>,
        %get3A_311 = vector.shape_cast %get3A_310 : vector<1x1x16xf32> to vector<16xf32>
        %add3A_312 = arith.addf %add3A_284, %get3A_311 : vector<16xf32>
        %get3A_313 = arith.constant 7 : i32
        %get3A_314 = arith.index_cast %while3A_112 : i32 to index
        %get3A_315 = arith.index_cast %get3A_313 : i32 to index
        %get3A_316 = arith.constant 0 : index
        %get3A_317 = tpu.vector_load %arg10[%get3A_314, %get3A_315, %get3A_316] {strides = array<i32>} : memref<13x16x64xf32, #tpu.memory_space<vmem>>, vector<1x1x16xf32>,
        %get3A_318 = vector.shape_cast %get3A_317 : vector<1x1x16xf32> to vector<16xf32>
        %add3A_319 = arith.addf %add3A_291, %get3A_318 : vector<16xf32>
        %get3A_320 = arith.constant 7 : i32
        %get3A_321 = arith.index_cast %while3A_112 : i32 to index
        %get3A_322 = arith.index_cast %get3A_320 : i32 to index
        %get3A_323 = arith.constant 16 : index
        %get3A_324 = tpu.vector_load %arg10[%get3A_321, %get3A_322, %get3A_323] {strides = array<i32>} : memref<13x16x64xf32, #tpu.memory_space<vmem>>, vector<1x1x16xf32>,
        %get3A_325 = vector.shape_cast %get3A_324 : vector<1x1x16xf32> to vector<16xf32>
        %add3A_326 = arith.addf %add3A_298, %get3A_325 : vector<16xf32>
        %get3A_327 = arith.constant 7 : i32
        %get3A_328 = arith.index_cast %while3A_112 : i32 to index
        %get3A_329 = arith.index_cast %get3A_327 : i32 to index
        %get3A_330 = arith.constant 32 : index
        %get3A_331 = tpu.vector_load %arg10[%get3A_328, %get3A_329, %get3A_330] {strides = array<i32>} : memref<13x16x64xf32, #tpu.memory_space<vmem>>, vector<1x1x16xf32>,
        %get3A_332 = vector.shape_cast %get3A_331 : vector<1x1x16xf32> to vector<16xf32>
        %add3A_333 = arith.addf %add3A_305, %get3A_332 : vector<16xf32>
        %get3A_334 = arith.constant 7 : i32
        %get3A_335 = arith.index_cast %while3A_112 : i32 to index
        %get3A_336 = arith.index_cast %get3A_334 : i32 to index
        %get3A_337 = arith.constant 48 : index
        %get3A_338 = tpu.vector_load %arg10[%get3A_335, %get3A_336, %get3A_337] {strides = array<i32>} : memref<13x16x64xf32, #tpu.memory_space<vmem>>, vector<1x1x16xf32>,
        %get3A_339 = vector.shape_cast %get3A_338 : vector<1x1x16xf32> to vector<16xf32>
        %add3A_340 = arith.addf %add3A_312, %get3A_339 : vector<16xf32>
        %get3A_341 = arith.constant 8 : i32
        %get3A_342 = arith.index_cast %while3A_112 : i32 to index
        %get3A_343 = arith.index_cast %get3A_341 : i32 to index
        %get3A_344 = arith.constant 0 : index
        %get3A_345 = tpu.vector_load %arg10[%get3A_342, %get3A_343, %get3A_344] {strides = array<i32>} : memref<13x16x64xf32, #tpu.memory_space<vmem>>, vector<1x1x16xf32>,
        %get3A_346 = vector.shape_cast %get3A_345 : vector<1x1x16xf32> to vector<16xf32>
        %add3A_347 = arith.addf %add3A_319, %get3A_346 : vector<16xf32>
        %get3A_348 = arith.constant 8 : i32
        %get3A_349 = arith.index_cast %while3A_112 : i32 to index
        %get3A_350 = arith.index_cast %get3A_348 : i32 to index
        %get3A_351 = arith.constant 16 : index
        %get3A_352 = tpu.vector_load %arg10[%get3A_349, %get3A_350, %get3A_351] {strides = array<i32>} : memref<13x16x64xf32, #tpu.memory_space<vmem>>, vector<1x1x16xf32>,
        %get3A_353 = vector.shape_cast %get3A_352 : vector<1x1x16xf32> to vector<16xf32>
        %add3A_354 = arith.addf %add3A_326, %get3A_353 : vector<16xf32>
        %get3A_355 = arith.constant 8 : i32
        %get3A_356 = arith.index_cast %while3A_112 : i32 to index
        %get3A_357 = arith.index_cast %get3A_355 : i32 to index
        %get3A_358 = arith.constant 32 : index
        %get3A_359 = tpu.vector_load %arg10[%get3A_356, %get3A_357, %get3A_358] {strides = array<i32>} : memref<13x16x64xf32, #tpu.memory_space<vmem>>, vector<1x1x16xf32>,
        %get3A_360 = vector.shape_cast %get3A_359 : vector<1x1x16xf32> to vector<16xf32>
        %add3A_361 = arith.addf %add3A_333, %get3A_360 : vector<16xf32>
        %get3A_362 = arith.constant 8 : i32
        %get3A_363 = arith.index_cast %while3A_112 : i32 to index
        %get3A_364 = arith.index_cast %get3A_362 : i32 to index
        %get3A_365 = arith.constant 48 : index
        %get3A_366 = tpu.vector_load %arg10[%get3A_363, %get3A_364, %get3A_365] {strides = array<i32>} : memref<13x16x64xf32, #tpu.memory_space<vmem>>, vector<1x1x16xf32>,
        %get3A_367 = vector.shape_cast %get3A_366 : vector<1x1x16xf32> to vector<16xf32>
        %add3A_368 = arith.addf %add3A_340, %get3A_367 : vector<16xf32>
        %get3A_369 = arith.constant 9 : i32
        %get3A_370 = arith.index_cast %while3A_112 : i32 to index
        %get3A_371 = arith.index_cast %get3A_369 : i32 to index
        %get3A_372 = arith.constant 0 : index
        %get3A_373 = tpu.vector_load %arg10[%get3A_370, %get3A_371, %get3A_372] {strides = array<i32>} : memref<13x16x64xf32, #tpu.memory_space<vmem>>, vector<1x1x16xf32>,
        %get3A_374 = vector.shape_cast %get3A_373 : vector<1x1x16xf32> to vector<16xf32>
        %add3A_375 = arith.addf %add3A_347, %get3A_374 : vector<16xf32>
        %get3A_376 = arith.constant 9 : i32
        %get3A_377 = arith.index_cast %while3A_112 : i32 to index
        %get3A_378 = arith.index_cast %get3A_376 : i32 to index
        %get3A_379 = arith.constant 16 : index
        %get3A_380 = tpu.vector_load %arg10[%get3A_377, %get3A_378, %get3A_379] {strides = array<i32>} : memref<13x16x64xf32, #tpu.memory_space<vmem>>, vector<1x1x16xf32>,
        %get3A_381 = vector.shape_cast %get3A_380 : vector<1x1x16xf32> to vector<16xf32>
        %add3A_382 = arith.addf %add3A_354, %get3A_381 : vector<16xf32>
        %get3A_383 = arith.constant 9 : i32
        %get3A_384 = arith.index_cast %while3A_112 : i32 to index
        %get3A_385 = arith.index_cast %get3A_383 : i32 to index
        %get3A_386 = arith.constant 32 : index
        %get3A_387 = tpu.vector_load %arg10[%get3A_384, %get3A_385, %get3A_386] {strides = array<i32>} : memref<13x16x64xf32, #tpu.memory_space<vmem>>, vector<1x1x16xf32>,
        %get3A_388 = vector.shape_cast %get3A_387 : vector<1x1x16xf32> to vector<16xf32>
        %add3A_389 = arith.addf %add3A_361, %get3A_388 : vector<16xf32>
        %get3A_390 = arith.constant 9 : i32
        %get3A_391 = arith.index_cast %while3A_112 : i32 to index
        %get3A_392 = arith.index_cast %get3A_390 : i32 to index
        %get3A_393 = arith.constant 48 : index
        %get3A_394 = tpu.vector_load %arg10[%get3A_391, %get3A_392, %get3A_393] {strides = array<i32>} : memref<13x16x64xf32, #tpu.memory_space<vmem>>, vector<1x1x16xf32>,
        %get3A_395 = vector.shape_cast %get3A_394 : vector<1x1x16xf32> to vector<16xf32>
        %add3A_396 = arith.addf %add3A_368, %get3A_395 : vector<16xf32>
        %get3A_397 = arith.constant 10 : i32
        %get3A_398 = arith.index_cast %while3A_112 : i32 to index
        %get3A_399 = arith.index_cast %get3A_397 : i32 to index
        %get3A_400 = arith.constant 0 : index
        %get3A_401 = tpu.vector_load %arg10[%get3A_398, %get3A_399, %get3A_400] {strides = array<i32>} : memref<13x16x64xf32, #tpu.memory_space<vmem>>, vector<1x1x16xf32>,
        %get3A_402 = vector.shape_cast %get3A_401 : vector<1x1x16xf32> to vector<16xf32>
        %add3A_403 = arith.addf %add3A_375, %get3A_402 : vector<16xf32>
        %get3A_404 = arith.constant 10 : i32
        %get3A_405 = arith.index_cast %while3A_112 : i32 to index
        %get3A_406 = arith.index_cast %get3A_404 : i32 to index
        %get3A_407 = arith.constant 16 : index
        %get3A_408 = tpu.vector_load %arg10[%get3A_405, %get3A_406, %get3A_407] {strides = array<i32>} : memref<13x16x64xf32, #tpu.memory_space<vmem>>, vector<1x1x16xf32>,
        %get3A_409 = vector.shape_cast %get3A_408 : vector<1x1x16xf32> to vector<16xf32>
        %add3A_410 = arith.addf %add3A_382, %get3A_409 : vector<16xf32>
        %get3A_411 = arith.constant 10 : i32
        %get3A_412 = arith.index_cast %while3A_112 : i32 to index
        %get3A_413 = arith.index_cast %get3A_411 : i32 to index
        %get3A_414 = arith.constant 32 : index
        %get3A_415 = tpu.vector_load %arg10[%get3A_412, %get3A_413, %get3A_414] {strides = array<i32>} : memref<13x16x64xf32, #tpu.memory_space<vmem>>, vector<1x1x16xf32>,
        %get3A_416 = vector.shape_cast %get3A_415 : vector<1x1x16xf32> to vector<16xf32>
        %add3A_417 = arith.addf %add3A_389, %get3A_416 : vector<16xf32>
        %get3A_418 = arith.constant 10 : i32
        %get3A_419 = arith.index_cast %while3A_112 : i32 to index
        %get3A_420 = arith.index_cast %get3A_418 : i32 to index
        %get3A_421 = arith.constant 48 : index
        %get3A_422 = tpu.vector_load %arg10[%get3A_419, %get3A_420, %get3A_421] {strides = array<i32>} : memref<13x16x64xf32, #tpu.memory_space<vmem>>, vector<1x1x16xf32>,
        %get3A_423 = vector.shape_cast %get3A_422 : vector<1x1x16xf32> to vector<16xf32>
        %add3A_424 = arith.addf %add3A_396, %get3A_423 : vector<16xf32>
        %get3A_425 = arith.constant 11 : i32
        %get3A_426 = arith.index_cast %while3A_112 : i32 to index
        %get3A_427 = arith.index_cast %get3A_425 : i32 to index
        %get3A_428 = arith.constant 0 : index
        %get3A_429 = tpu.vector_load %arg10[%get3A_426, %get3A_427, %get3A_428] {strides = array<i32>} : memref<13x16x64xf32, #tpu.memory_space<vmem>>, vector<1x1x16xf32>,
        %get3A_430 = vector.shape_cast %get3A_429 : vector<1x1x16xf32> to vector<16xf32>
        %add3A_431 = arith.addf %add3A_403, %get3A_430 : vector<16xf32>
        %get3A_432 = arith.constant 11 : i32
        %get3A_433 = arith.index_cast %while3A_112 : i32 to index
        %get3A_434 = arith.index_cast %get3A_432 : i32 to index
        %get3A_435 = arith.constant 16 : index
        %get3A_436 = tpu.vector_load %arg10[%get3A_433, %get3A_434, %get3A_435] {strides = array<i32>} : memref<13x16x64xf32, #tpu.memory_space<vmem>>, vector<1x1x16xf32>,
        %get3A_437 = vector.shape_cast %get3A_436 : vector<1x1x16xf32> to vector<16xf32>
        %add3A_438 = arith.addf %add3A_410, %get3A_437 : vector<16xf32>
        %get3A_439 = arith.constant 11 : i32
        %get3A_440 = arith.index_cast %while3A_112 : i32 to index
        %get3A_441 = arith.index_cast %get3A_439 : i32 to index
        %get3A_442 = arith.constant 32 : index
        %get3A_443 = tpu.vector_load %arg10[%get3A_440, %get3A_441, %get3A_442] {strides = array<i32>} : memref<13x16x64xf32, #tpu.memory_space<vmem>>, vector<1x1x16xf32>,
        %get3A_444 = vector.shape_cast %get3A_443 : vector<1x1x16xf32> to vector<16xf32>
        %add3A_445 = arith.addf %add3A_417, %get3A_444 : vector<16xf32>
        %get3A_446 = arith.constant 11 : i32
        %get3A_447 = arith.index_cast %while3A_112 : i32 to index
        %get3A_448 = arith.index_cast %get3A_446 : i32 to index
        %get3A_449 = arith.constant 48 : index
        %get3A_450 = tpu.vector_load %arg10[%get3A_447, %get3A_448, %get3A_449] {strides = array<i32>} : memref<13x16x64xf32, #tpu.memory_space<vmem>>, vector<1x1x16xf32>,
        %get3A_451 = vector.shape_cast %get3A_450 : vector<1x1x16xf32> to vector<16xf32>
        %add3A_452 = arith.addf %add3A_424, %get3A_451 : vector<16xf32>
        %get3A_453 = arith.constant 12 : i32
        %get3A_454 = arith.index_cast %while3A_112 : i32 to index
        %get3A_455 = arith.index_cast %get3A_453 : i32 to index
        %get3A_456 = arith.constant 0 : index
        %get3A_457 = tpu.vector_load %arg10[%get3A_454, %get3A_455, %get3A_456] {strides = array<i32>} : memref<13x16x64xf32, #tpu.memory_space<vmem>>, vector<1x1x16xf32>,
        %get3A_458 = vector.shape_cast %get3A_457 : vector<1x1x16xf32> to vector<16xf32>
        %add3A_459 = arith.addf %add3A_431, %get3A_458 : vector<16xf32>
        %get3A_460 = arith.constant 12 : i32
        %get3A_461 = arith.index_cast %while3A_112 : i32 to index
        %get3A_462 = arith.index_cast %get3A_460 : i32 to index
        %get3A_463 = arith.constant 16 : index
        %get3A_464 = tpu.vector_load %arg10[%get3A_461, %get3A_462, %get3A_463] {strides = array<i32>} : memref<13x16x64xf32, #tpu.memory_space<vmem>>, vector<1x1x16xf32>,
        %get3A_465 = vector.shape_cast %get3A_464 : vector<1x1x16xf32> to vector<16xf32>
        %add3A_466 = arith.addf %add3A_438, %get3A_465 : vector<16xf32>
        %get3A_467 = arith.constant 12 : i32
        %get3A_468 = arith.index_cast %while3A_112 : i32 to index
        %get3A_469 = arith.index_cast %get3A_467 : i32 to index
        %get3A_470 = arith.constant 32 : index
        %get3A_471 = tpu.vector_load %arg10[%get3A_468, %get3A_469, %get3A_470] {strides = array<i32>} : memref<13x16x64xf32, #tpu.memory_space<vmem>>, vector<1x1x16xf32>,
        %get3A_472 = vector.shape_cast %get3A_471 : vector<1x1x16xf32> to vector<16xf32>
        %add3A_473 = arith.addf %add3A_445, %get3A_472 : vector<16xf32>
        %get3A_474 = arith.constant 12 : i32
        %get3A_475 = arith.index_cast %while3A_112 : i32 to index
        %get3A_476 = arith.index_cast %get3A_474 : i32 to index
        %get3A_477 = arith.constant 48 : index
        %get3A_478 = tpu.vector_load %arg10[%get3A_475, %get3A_476, %get3A_477] {strides = array<i32>} : memref<13x16x64xf32, #tpu.memory_space<vmem>>, vector<1x1x16xf32>,
        %get3A_479 = vector.shape_cast %get3A_478 : vector<1x1x16xf32> to vector<16xf32>
        %add3A_480 = arith.addf %add3A_452, %get3A_479 : vector<16xf32>
        %get3A_481 = arith.constant 13 : i32
        %get3A_482 = arith.index_cast %while3A_112 : i32 to index
        %get3A_483 = arith.index_cast %get3A_481 : i32 to index
        %get3A_484 = arith.constant 0 : index
        %get3A_485 = tpu.vector_load %arg10[%get3A_482, %get3A_483, %get3A_484] {strides = array<i32>} : memref<13x16x64xf32, #tpu.memory_space<vmem>>, vector<1x1x16xf32>,
        %get3A_486 = vector.shape_cast %get3A_485 : vector<1x1x16xf32> to vector<16xf32>
        %add3A_487 = arith.addf %add3A_459, %get3A_486 : vector<16xf32>
        %get3A_488 = arith.constant 13 : i32
        %get3A_489 = arith.index_cast %while3A_112 : i32 to index
        %get3A_490 = arith.index_cast %get3A_488 : i32 to index
        %get3A_491 = arith.constant 16 : index
        %get3A_492 = tpu.vector_load %arg10[%get3A_489, %get3A_490, %get3A_491] {strides = array<i32>} : memref<13x16x64xf32, #tpu.memory_space<vmem>>, vector<1x1x16xf32>,
        %get3A_493 = vector.shape_cast %get3A_492 : vector<1x1x16xf32> to vector<16xf32>
        %add3A_494 = arith.addf %add3A_466, %get3A_493 : vector<16xf32>
        %get3A_495 = arith.constant 13 : i32
        %get3A_496 = arith.index_cast %while3A_112 : i32 to index
        %get3A_497 = arith.index_cast %get3A_495 : i32 to index
        %get3A_498 = arith.constant 32 : index
        %get3A_499 = tpu.vector_load %arg10[%get3A_496, %get3A_497, %get3A_498] {strides = array<i32>} : memref<13x16x64xf32, #tpu.memory_space<vmem>>, vector<1x1x16xf32>,
        %get3A_500 = vector.shape_cast %get3A_499 : vector<1x1x16xf32> to vector<16xf32>
        %add3A_501 = arith.addf %add3A_473, %get3A_500 : vector<16xf32>
        %get3A_502 = arith.constant 13 : i32
        %get3A_503 = arith.index_cast %while3A_112 : i32 to index
        %get3A_504 = arith.index_cast %get3A_502 : i32 to index
        %get3A_505 = arith.constant 48 : index
        %get3A_506 = tpu.vector_load %arg10[%get3A_503, %get3A_504, %get3A_505] {strides = array<i32>} : memref<13x16x64xf32, #tpu.memory_space<vmem>>, vector<1x1x16xf32>,
        %get3A_507 = vector.shape_cast %get3A_506 : vector<1x1x16xf32> to vector<16xf32>
        %add3A_508 = arith.addf %add3A_480, %get3A_507 : vector<16xf32>
        %get3A_509 = arith.constant 14 : i32
        %get3A_510 = arith.index_cast %while3A_112 : i32 to index
        %get3A_511 = arith.index_cast %get3A_509 : i32 to index
        %get3A_512 = arith.constant 0 : index
        %get3A_513 = tpu.vector_load %arg10[%get3A_510, %get3A_511, %get3A_512] {strides = array<i32>} : memref<13x16x64xf32, #tpu.memory_space<vmem>>, vector<1x1x16xf32>,
        %get3A_514 = vector.shape_cast %get3A_513 : vector<1x1x16xf32> to vector<16xf32>
        %add3A_515 = arith.addf %add3A_487, %get3A_514 : vector<16xf32>
        %get3A_516 = arith.constant 14 : i32
        %get3A_517 = arith.index_cast %while3A_112 : i32 to index
        %get3A_518 = arith.index_cast %get3A_516 : i32 to index
        %get3A_519 = arith.constant 16 : index
        %get3A_520 = tpu.vector_load %arg10[%get3A_517, %get3A_518, %get3A_519] {strides = array<i32>} : memref<13x16x64xf32, #tpu.memory_space<vmem>>, vector<1x1x16xf32>,
        %get3A_521 = vector.shape_cast %get3A_520 : vector<1x1x16xf32> to vector<16xf32>
        %add3A_522 = arith.addf %add3A_494, %get3A_521 : vector<16xf32>
        %get3A_523 = arith.constant 14 : i32
        %get3A_524 = arith.index_cast %while3A_112 : i32 to index
        %get3A_525 = arith.index_cast %get3A_523 : i32 to index
        %get3A_526 = arith.constant 32 : index
        %get3A_527 = tpu.vector_load %arg10[%get3A_524, %get3A_525, %get3A_526] {strides = array<i32>} : memref<13x16x64xf32, #tpu.memory_space<vmem>>, vector<1x1x16xf32>,
        %get3A_528 = vector.shape_cast %get3A_527 : vector<1x1x16xf32> to vector<16xf32>
        %add3A_529 = arith.addf %add3A_501, %get3A_528 : vector<16xf32>
        %get3A_530 = arith.constant 14 : i32
        %get3A_531 = arith.index_cast %while3A_112 : i32 to index
        %get3A_532 = arith.index_cast %get3A_530 : i32 to index
        %get3A_533 = arith.constant 48 : index
        %get3A_534 = tpu.vector_load %arg10[%get3A_531, %get3A_532, %get3A_533] {strides = array<i32>} : memref<13x16x64xf32, #tpu.memory_space<vmem>>, vector<1x1x16xf32>,
        %get3A_535 = vector.shape_cast %get3A_534 : vector<1x1x16xf32> to vector<16xf32>
        %add3A_536 = arith.addf %add3A_508, %get3A_535 : vector<16xf32>
        %get3A_537 = arith.constant 15 : i32
        %get3A_538 = arith.index_cast %while3A_112 : i32 to index
        %get3A_539 = arith.index_cast %get3A_537 : i32 to index
        %get3A_540 = arith.constant 0 : index
        %get3A_541 = tpu.vector_load %arg10[%get3A_538, %get3A_539, %get3A_540] {strides = array<i32>} : memref<13x16x64xf32, #tpu.memory_space<vmem>>, vector<1x1x16xf32>,
        %get3A_542 = vector.shape_cast %get3A_541 : vector<1x1x16xf32> to vector<16xf32>
        %add3A_543 = arith.addf %add3A_515, %get3A_542 : vector<16xf32>
        %get3A_544 = arith.constant 15 : i32
        %get3A_545 = arith.index_cast %while3A_112 : i32 to index
        %get3A_546 = arith.index_cast %get3A_544 : i32 to index
        %get3A_547 = arith.constant 16 : index
        %get3A_548 = tpu.vector_load %arg10[%get3A_545, %get3A_546, %get3A_547] {strides = array<i32>} : memref<13x16x64xf32, #tpu.memory_space<vmem>>, vector<1x1x16xf32>,
        %get3A_549 = vector.shape_cast %get3A_548 : vector<1x1x16xf32> to vector<16xf32>
        %add3A_550 = arith.addf %add3A_522, %get3A_549 : vector<16xf32>
        %get3A_551 = arith.constant 15 : i32
        %get3A_552 = arith.index_cast %while3A_112 : i32 to index
        %get3A_553 = arith.index_cast %get3A_551 : i32 to index
        %get3A_554 = arith.constant 32 : index
        %get3A_555 = tpu.vector_load %arg10[%get3A_552, %get3A_553, %get3A_554] {strides = array<i32>} : memref<13x16x64xf32, #tpu.memory_space<vmem>>, vector<1x1x16xf32>,
        %get3A_556 = vector.shape_cast %get3A_555 : vector<1x1x16xf32> to vector<16xf32>
        %add3A_557 = arith.addf %add3A_529, %get3A_556 : vector<16xf32>
        %get3A_558 = arith.constant 15 : i32
        %get3A_559 = arith.index_cast %while3A_112 : i32 to index
        %get3A_560 = arith.index_cast %get3A_558 : i32 to index
        %get3A_561 = arith.constant 48 : index
        %get3A_562 = tpu.vector_load %arg10[%get3A_559, %get3A_560, %get3A_561] {strides = array<i32>} : memref<13x16x64xf32, #tpu.memory_space<vmem>>, vector<1x1x16xf32>,
        %get3A_563 = vector.shape_cast %get3A_562 : vector<1x1x16xf32> to vector<16xf32>
        %add3A_564 = arith.addf %add3A_536, %get3A_563 : vector<16xf32>
        scf.yield %add3A_543, %add3A_550, %add3A_557, %add3A_564 : vector<16xf32>, vector<16xf32>, vector<16xf32>, vector<16xf32>
      }
      %mul3A_68 = arith.constant 16 : i32
      %mul3A_69 = arith.muli %squeeze3A_31, %mul3A_68 : i32
      %broadcast_in_dim3A_70 = vector.broadcast %mul3A_69 : i32 to vector<16xi32>
      %sub3A = arith.subi %broadcast_in_dim3A_70, %get3A_25 : vector<16xi32>
      %convert_element_type3A = arith.sitofp %sub3A : vector<16xi32> to vector<16xf32>
      %get3A_71 = arith.constant 0 : index
      %get3A_72 = tpu.vector_load %arg12[%get3A_71] {strides = array<i32>} : memref<64xf32, #tpu.memory_space<vmem>>, vector<16xf32>,
      %get3A_73 = vector.shape_cast %get3A_72 : vector<16xf32> to vector<16xf32>
      %mul3A_74 = arith.mulf %convert_element_type3A, %get3A_73 : vector<16xf32>
      %sub3A_75 = arith.subf %while3A_67#0, %mul3A_74 : vector<16xf32>
      %swap3A_76 = arith.index_cast %scan3A_17 : i32 to index
      %swap3A_77 = arith.constant 0 : index
      %swap3A_78 = tpu.vector_load %arg11[%swap3A_76, %swap3A_77] {strides = array<i32>} : memref<64x64xf32, #tpu.memory_space<vmem>>, vector<1x16xf32>,
      %swap3A_79 = vector.shape_cast %swap3A_78 : vector<1x16xf32> to vector<16xf32>
      %swap3A_80 = vector.shape_cast %sub3A_75 : vector<16xf32> to vector<1x16xf32>
      tpu.vector_store %arg11[%swap3A_76, %swap3A_77], %swap3A_80 {strides = array<i32>} : memref<64x64xf32, #tpu.memory_space<vmem>>, vector<1x16xf32>,
      %get3A_81 = arith.constant 16 : index
      %get3A_82 = tpu.vector_load %arg12[%get3A_81] {strides = array<i32>} : memref<64xf32, #tpu.memory_space<vmem>>, vector<16xf32>,
      %get3A_83 = vector.shape_cast %get3A_82 : vector<16xf32> to vector<16xf32>
      %mul3A_84 = arith.mulf %convert_element_type3A, %get3A_83 : vector<16xf32>
      %sub3A_85 = arith.subf %while3A_67#1, %mul3A_84 : vector<16xf32>
      %swap3A_86 = arith.index_cast %scan3A_17 : i32 to index
      %swap3A_87 = arith.constant 16 : index
      %swap3A_88 = tpu.vector_load %arg11[%swap3A_86, %swap3A_87] {strides = array<i32>} : memref<64x64xf32, #tpu.memory_space<vmem>>, vector<1x16xf32>,
      %swap3A_89 = vector.shape_cast %swap3A_88 : vector<1x16xf32> to vector<16xf32>
      %swap3A_90 = vector.shape_cast %sub3A_85 : vector<16xf32> to vector<1x16xf32>
      tpu.vector_store %arg11[%swap3A_86, %swap3A_87], %swap3A_90 {strides = array<i32>} : memref<64x64xf32, #tpu.memory_space<vmem>>, vector<1x16xf32>,
      %get3A_91 = arith.constant 32 : index
      %get3A_92 = tpu.vector_load %arg12[%get3A_91] {strides = array<i32>} : memref<64xf32, #tpu.memory_space<vmem>>, vector<16xf32>,
      %get3A_93 = vector.shape_cast %get3A_92 : vector<16xf32> to vector<16xf32>
      %mul3A_94 = arith.mulf %convert_element_type3A, %get3A_93 : vector<16xf32>
      %sub3A_95 = arith.subf %while3A_67#2, %mul3A_94 : vector<16xf32>
      %swap3A_96 = arith.index_cast %scan3A_17 : i32 to index
      %swap3A_97 = arith.constant 32 : index
      %swap3A_98 = tpu.vector_load %arg11[%swap3A_96, %swap3A_97] {strides = array<i32>} : memref<64x64xf32, #tpu.memory_space<vmem>>, vector<1x16xf32>,
      %swap3A_99 = vector.shape_cast %swap3A_98 : vector<1x16xf32> to vector<16xf32>
      %swap3A_100 = vector.shape_cast %sub3A_95 : vector<16xf32> to vector<1x16xf32>
      tpu.vector_store %arg11[%swap3A_96, %swap3A_97], %swap3A_100 {strides = array<i32>} : memref<64x64xf32, #tpu.memory_space<vmem>>, vector<1x16xf32>,
      %get3A_101 = arith.constant 48 : index
      %get3A_102 = tpu.vector_load %arg12[%get3A_101] {strides = array<i32>} : memref<64xf32, #tpu.memory_space<vmem>>, vector<16xf32>,
      %get3A_103 = vector.shape_cast %get3A_102 : vector<16xf32> to vector<16xf32>
      %mul3A_104 = arith.mulf %convert_element_type3A, %get3A_103 : vector<16xf32>
      %sub3A_105 = arith.subf %while3A_67#3, %mul3A_104 : vector<16xf32>
      %swap3A_106 = arith.index_cast %scan3A_17 : i32 to index
      %swap3A_107 = arith.constant 48 : index
      %swap3A_108 = tpu.vector_load %arg11[%swap3A_106, %swap3A_107] {strides = array<i32>} : memref<64x64xf32, #tpu.memory_space<vmem>>, vector<1x16xf32>,
      %swap3A_109 = vector.shape_cast %swap3A_108 : vector<1x16xf32> to vector<16xf32>
      %swap3A_110 = vector.shape_cast %sub3A_105 : vector<16xf32> to vector<1x16xf32>
      tpu.vector_store %arg11[%swap3A_106, %swap3A_107], %swap3A_110 {strides = array<i32>} : memref<64x64xf32, #tpu.memory_space<vmem>>, vector<1x16xf32>,
      %scan3A_111 = arith.constant 0 : i32
      scf.yield %scan3A_111 : i32
    }
    %scan3A_16 = arith.constant 64 : i32
    "tpu.region"() ({
      %run_scoped3A_17 = tpu.sem_alloc : memref<!tpu.dma_semaphore, #tpu.memory_space<semaphore_mem>>
      %dma_start3A = arith.constant 0 : i32
      %dma_start3A_18 = tpu.memref_slice %arg6[%mul3A_2, %dma_start3A] : memref<2048x64xf32, #tpu.memory_space<hbm>> -> memref<64x64xf32, #tpu.memory_space<hbm>>
      %dma_start3A_19 = arith.constant 0 : i32
      %dma_start3A_20 = tpu.memref_slice %arg6[%mul3A_2, %dma_start3A_19] : memref<2048x64xf32, #tpu.memory_space<hbm>> -> memref<64x64xf32, #tpu.memory_space<hbm>>
      tpu.enqueue_dma source(%arg11 : memref<64x64xf32, #tpu.memory_space<vmem>>) target(%dma_start3A_20 : memref<64x64xf32, #tpu.memory_space<hbm>>) target_semaphore(%run_scoped3A_17 : memref<!tpu.dma_semaphore, #tpu.memory_space<semaphore_mem>>)
      %dma_wait3A = arith.constant 0 : i32
      %dma_wait3A_21 = tpu.memref_slice %arg6[%mul3A_2, %dma_wait3A] : memref<2048x64xf32, #tpu.memory_space<hbm>> -> memref<64x64xf32, #tpu.memory_space<hbm>>
      %dma_wait3A_22 = arith.constant 0 : i32
      %dma_wait3A_23 = tpu.memref_slice %arg6[%mul3A_2, %dma_wait3A_22] : memref<2048x64xf32, #tpu.memory_space<hbm>> -> memref<64x64xf32, #tpu.memory_space<hbm>>
      tpu.wait_dma2 semaphore(%run_scoped3A_17 : memref<!tpu.dma_semaphore, #tpu.memory_space<semaphore_mem>>) src(%arg11 : memref<64x64xf32, #tpu.memory_space<vmem>>) dst(%dma_wait3A_23 : memref<64x64xf32, #tpu.memory_space<hbm>>)
      tpu.yield
    }) : () -> ()
    return
  }
}

module attributes {stable_mosaic.version = 14 : i64} {
  func.func @_loss_kernel(%arg0: memref<2048x64xf32, #tpu.memory_space<vmem>>, %arg1: memref<2048x64xf32, #tpu.memory_space<vmem>>, %arg2: memref<2048x64xf32, #tpu.memory_space<vmem>>, %arg3: memref<1x1xf32, #tpu.memory_space<vmem>>) attributes {dimension_semantics = [], scalar_prefetch = 0 : i64, scratch_operands = 0 : i64, tpu.core_type = #tpu.core_type<tc>} {
    %get3A = arith.constant 0 : index
    %get3A_0 = arith.constant 0 : index
    %get3A_1 = vector.load %arg0[%get3A, %get3A_0] : memref<2048x64xf32, #tpu.memory_space<vmem>>, vector<2048x64xf32>
    %get3A_2 = arith.constant 0 : index
    %get3A_3 = arith.constant 0 : index
    %get3A_4 = vector.load %arg1[%get3A_2, %get3A_3] : memref<2048x64xf32, #tpu.memory_space<vmem>>, vector<2048x64xf32>
    %add3A = arith.addf %get3A_1, %get3A_4 : vector<2048x64xf32>
    %get3A_5 = arith.constant 0 : index
    %get3A_6 = arith.constant 0 : index
    %get3A_7 = vector.load %arg2[%get3A_5, %get3A_6] : memref<2048x64xf32, #tpu.memory_space<vmem>>, vector<2048x64xf32>
    %div3A = arith.divf %add3A, %get3A_7 : vector<2048x64xf32>
    %slice3A = vector.extract_strided_slice %div3A {offsets = [0, 0], sizes = [1024, 64], strides = [1, 1]} : vector<2048x64xf32> to vector<1024x64xf32>
    %slice3A_8 = vector.extract_strided_slice %div3A {offsets = [1024, 0], sizes = [1024, 64], strides = [1, 1]} : vector<2048x64xf32> to vector<1024x64xf32>
    %dot_general3A = arith.constant dense<0.000000e+00> : vector<1024x1024xf32>
    %dot_general3A_9 = tpu.matmul %slice3A, %slice3A_8, %dot_general3A {dimension_numbers = #tpu.dot_dimension_numbers<[1], [1], [0], [0], [0, 0, 1, 0], [], []>, transpose_lhs_hint = false} : vector<1024x64xf32>, vector<1024x64xf32>, vector<1024x1024xf32> -> vector<1024x1024xf32>
    %dot_general3A_10 = arith.constant dense<0.000000e+00> : vector<1024x1024xf32>
    %dot_general3A_11 = tpu.matmul %slice3A, %slice3A, %dot_general3A_10 {dimension_numbers = #tpu.dot_dimension_numbers<[1], [1], [0], [0], [0, 0, 1, 0], [], []>, transpose_lhs_hint = false} : vector<1024x64xf32>, vector<1024x64xf32>, vector<1024x1024xf32> -> vector<1024x1024xf32>
    %iota3A = tpu.iota {dimensions = array<i32: 0>} : vector<1024x1024xi32>
    %iota3A_12 = tpu.iota {dimensions = array<i32: 1>} : vector<1024x1024xi32>
    %eq3A = arith.cmpi eq, %iota3A, %iota3A_12 : vector<1024x1024xi32>
    %jit3A = arith.constant -1.000000e+09 : f32
    %broadcast_in_dim3A = vector.broadcast %jit3A : f32 to vector<1024x1024xf32>
    %select_n3A = arith.select %eq3A, %broadcast_in_dim3A, %dot_general3A_11 : vector<1024x1024xi1>, vector<1024x1024xf32>
    %jit3A_13 = arith.constant 0.000000e+00 : f32
    %broadcast_in_dim3A_14 = vector.broadcast %jit3A_13 : f32 to vector<1024x1024xf32>
    %select_n3A_15 = arith.select %eq3A, %dot_general3A_9, %broadcast_in_dim3A_14 : vector<1024x1024xi1>, vector<1024x1024xf32>
    %reduce_sum3A = arith.constant dense<0.000000e+00> : vector<1024xf32>
    %reduce_sum3A_16 = vector.multi_reduction <add>, %select_n3A_15, %reduce_sum3A [1] : vector<1024x1024xf32> to vector<1024xf32>
    %reduce_max3A = arith.constant dense<0xFF800000> : vector<1024xf32>
    %reduce_max3A_17 = vector.multi_reduction <maximumf>, %dot_general3A_9, %reduce_max3A [1] : vector<1024x1024xf32> to vector<1024xf32>
    %reduce_max3A_18 = arith.constant dense<0xFF800000> : vector<1024xf32>
    %reduce_max3A_19 = vector.multi_reduction <maximumf>, %select_n3A, %reduce_max3A_18 [1] : vector<1024x1024xf32> to vector<1024xf32>
    %max3A = arith.maximumf %reduce_max3A_17, %reduce_max3A_19 : vector<1024xf32>
    %broadcast_in_dim3A_20 = vector.shape_cast %max3A : vector<1024xf32> to vector<1024x1xf32>
    %sub3A = vector.broadcast %broadcast_in_dim3A_20 : vector<1024x1xf32> to vector<1024x1024xf32>
    %sub3A_21 = arith.subf %dot_general3A_9, %sub3A : vector<1024x1024xf32>
    %exp3A = math.exp %sub3A_21 : vector<1024x1024xf32>
    %reduce_sum3A_22 = arith.constant dense<0.000000e+00> : vector<1024xf32>
    %reduce_sum3A_23 = vector.multi_reduction <add>, %exp3A, %reduce_sum3A_22 [1] : vector<1024x1024xf32> to vector<1024xf32>
    %broadcast_in_dim3A_24 = vector.shape_cast %max3A : vector<1024xf32> to vector<1024x1xf32>
    %sub3A_25 = vector.broadcast %broadcast_in_dim3A_24 : vector<1024x1xf32> to vector<1024x1024xf32>
    %sub3A_26 = arith.subf %select_n3A, %sub3A_25 : vector<1024x1024xf32>
    %exp3A_27 = math.exp %sub3A_26 : vector<1024x1024xf32>
    %reduce_sum3A_28 = arith.constant dense<0.000000e+00> : vector<1024xf32>
    %reduce_sum3A_29 = vector.multi_reduction <add>, %exp3A_27, %reduce_sum3A_28 [1] : vector<1024x1024xf32> to vector<1024xf32>
    %add3A_30 = arith.addf %reduce_sum3A_23, %reduce_sum3A_29 : vector<1024xf32>
    %log3A = math.log %add3A_30 : vector<1024xf32>
    %add3A_31 = arith.addf %max3A, %log3A : vector<1024xf32>
    %sub3A_32 = arith.subf %add3A_31, %reduce_sum3A_16 : vector<1024xf32>
    %reduce_sum3A_33 = vector.shape_cast %sub3A_32 : vector<1024xf32> to vector<1x1024xf32>
    %reduce_sum3A_34 = arith.constant dense<0.000000e+00> : vector<1xf32>
    %reduce_sum3A_35 = vector.multi_reduction <add>, %reduce_sum3A_33, %reduce_sum3A_34 [1] : vector<1x1024xf32> to vector<1xf32>
    %reduce_sum3A_36 = vector.shape_cast %reduce_sum3A_35 : vector<1xf32> to vector<1x1xf32>
    %reduce_sum3A_37 = vector.extract %reduce_sum3A_36[0, 0] : f32 from vector<1x1xf32>
    %div3A_38 = arith.constant 1.024000e+03 : f32
    %div3A_39 = arith.divf %reduce_sum3A_37, %div3A_38 : f32
    %reshape3A = vector.broadcast %div3A_39 : f32 to vector<1x1xf32>
    %swap3A = arith.constant 0 : index
    %swap3A_40 = arith.constant 0 : index
    %swap3A_41 = vector.load %arg3[%swap3A, %swap3A_40] : memref<1x1xf32, #tpu.memory_space<vmem>>, vector<1x1xf32>
    tpu.vector_store %arg3[%swap3A, %swap3A_40], %reshape3A {strides = array<i32>} : memref<1x1xf32, #tpu.memory_space<vmem>>, vector<1x1xf32>,
    return
  }
}

</mosaic_0001>

<sc_bundles>
// kernel: gather_offload_async_start
scs
__scs_entry_jumppad:
0x0: {  	(pc) =	sbr.rel $0x88, $3  }
0x1: {  	(tag) =	ssettag $0x0;
	lr =	simm.s32 $0x1  }
0x2: {  	[smem:$0x3F9E] =	sst lr;
	_ =	strace $0xD0000000  }
0x3: {  	_ = 	snop  }
0x4: {  	_ = 	snop  }
0x5: {  	_ = 	snop  }
0x6: {  	_ = 	snop  }
0x7: {  	_ = 	snop  }
__scs_overlays_trampoline_lowered:
0x8: {  	[smem:$0x3FAD] =	sst s0  }
0x9: {  	[smem:$0x3FAE] =	sst s1  }
0xa: {  	[smem:$0x3FAF] =	sst s2  }
0xb: {  	[smem:$0x3FB0] =	sst s3  }
0xc: {  	[smem:$0x3FB1] =	sst s4  }
0xd: {  	[smem:$0x3FB2] =	sst s5  }
0xe: {  	[smem:$0x3FB3] =	sst s6  }
0xf: {  	[smem:$0x3FB4] =	sst s7  }
0x10: {  	[smem:$0x3FB5] =	sst s8  }
0x11: {  	[smem:$0x3FB6] =	sst s9;
	s0 =	simm.s32 @!p0 $0x0  }
0x12: {  	s1 =	sld [smem:$0x3F9C];
	s0 =	simm.s32 @p0 $0x1  }
0x13: {  	[smem:$0x3FB7] =	sst s0;
	s0 =	simm.s32 @!p1 $0x0  }
0x14: {  	s2 =	sld [smem:$0x3F9B];
	s0 =	simm.s32 @p1 $0x1  }
0x15: {  	[smem:$0x3FB8] =	sst s0;
	s0 =	simm.s32 @!p2 $0x0  }
0x16: {  	s3 =	sld [smem:$0x3FDB];
	s0 =	simm.s32 @p2 $0x1  }
0x17: {  	s4 =	simm.s32 $0x1BF5;
	[smem:$0x3FBA] =	sst s0  }
0x18: {  	s0 =	sld [smem:$0x3F9D];
	_ =	swait.ge [sflag:s4], $0x0  }
0x19: {  	s7 =	sld [smem:$0x3F9E]  }
0x1a: {  	s8 =	sadd.s32 $0xFFFFE003, lr  }
0x1b: {  	s9 =	sadd.s32 $0xFFFFFEF7, lr;
	s5 =	simm.s32 $0xFFFFFFFF;
	p2 =	slt.u32 s8, $0xFFFFF086  }
0x1c: {  	p1 =	slt.u32 s9, $0xF7A;
	s5 =	simm.s32 @!p2 $0x0  }
0x1d: {  	s5 =	simm.s32 @p1 $0x1;
	p0 =	seq.s32 s7, s2  }
0x1e: {  	s7 =	smul.u32 @!p0 $0xF7A, s2;
	p2 =	seq.s32 @!p0 s5, $0x0  }
0x1f: {  	s9 =	smul.u32 $0xF7A, s1;
	s8 =	simm.s32 @!p0 $0x1BF5;
	p2 =	por !p2, p0  }
0x20: {  	[sflag:s8] =	ssyncset.s32 @!p0 $0xFFFFF086;
	s6 =	sadd.s32 @!p0 s3, s7;
	s7 =	simm.s32 @!p0 $0x108  }
0x21: {  	s3 =	sadd.s32 s3, s9;
	s6 =	sadd.s32 @!p0 $0x88, s6;
	s7 =	simm.s32 @p2 $0x1082  }
0x22: {  	[simem:s7], [sflag:s8] =	dma.local @!p0 [hbm:s6], $0xF7A  }
0x23: {  	s9 =	sor.u32 $0xD0000000, s2;
	s6 =	simm.s32 $0x108;
	_ =	swait.ge @!p0 [sflag:s8], $0x0  }
0x24: {  	s3 =	sadd.s32 $0x88, s3;
	s6 =	simm.s32 @!p1 $0x1082;
	[sflag:s4] =	ssyncset.s32 $0xFFFFF086  }
0x25: {  	[simem:s6], [sflag:s4] =	dma.local [hbm:s3], $0xF7A  }
0x26: {  	[smem:$0x3F9E] =	sst s1;
	(tag) =	ssettag s2;
	_ =	strace s9  }
0x27: {  	s1 =	sld [smem:$0x3FAE]  }
0x28: {  	s2 =	sld [smem:$0x3FAF]  }
0x29: {  	s4 =	sld [smem:$0x3FB1]  }
0x2a: {  	p0 =	seq.s32 s5, $0x0;
	s5 =	sld [smem:$0x3FB2]  }
0x2b: {  	s6 =	sld [smem:$0x3FB3]  }
0x2c: {  	s7 =	sld [smem:$0x3FB4]  }
0x2d: {  	s3 =	simm.s32 $0x108;
	s8 =	sld [smem:$0x3FB5]  }
0x2e: {  	s3 =	simm.s32 @!p0 $0x1082;
	s9 =	sld [smem:$0x3FB6]  }
0x2f: {  	lr =	sadd.s32 s0, s3;
	s0 =	sld [smem:$0x3FAD]  }
0x30: {  	s3 =	sld [smem:$0x3FB0]  }
0x31: {  	[smem:$0x3FB9] =	sst s10  }
0x32: {  	s10 =	sld [smem:$0x3FB7];
	_ =	sdelay $0x3  }
0x33: {  	p0 =	seq.s32 s10, $0x1;
	s10 =	sld [smem:$0x3FB9];
	_ =	sdelay $0x3  }
0x34: {  	[smem:$0x3FB9] =	sst s10  }
0x35: {  	s10 =	sld [smem:$0x3FB8];
	_ =	sdelay $0x3  }
0x36: {  	p1 =	seq.s32 s10, $0x1;
	s10 =	sld [smem:$0x3FB9];
	_ =	sdelay $0x3  }
0x37: {  	[smem:$0x3FB9] =	sst s10  }
0x38: {  	s10 =	sld [smem:$0x3FBA]  }
0x39: {  	_ = 	snop;
	(pc) =	sbr.ind lr, $3  }
0x3a: {  	_ = 	snop  }
0x3b: {  	_ = 	snop  }
0x3c: {  	p2 =	seq.s32 s10, $0x1;
	s10 =	sld [smem:$0x3FB9]  }
0x3d: {  	_ =	shalt  }
0x3e: {  	_ =	shalt  }
0x3f: {  	_ =	shalt  }
0x40: {  	_ =	shalt  }
0x41: {  	_ =	shalt  }
0x42: {  	_ =	shalt  }
0x43: {  	_ =	shalt  }
0x44: {  	_ =	shalt  }
0x45: {  	_ =	shalt  }
0x46: {  	_ =	shalt  }
0x47: {  	_ =	shalt  }
0x48: {  	_ =	shalt  }
0x49: {  	_ =	shalt  }
0x4a: {  	_ =	shalt  }
0x4b: {  	_ =	shalt  }
0x4c: {  	_ =	shalt  }
0x4d: {  	_ =	shalt  }
0x4e: {  	_ =	shalt  }
0x4f: {  	_ =	shalt  }
0x50: {  	_ =	shalt  }
0x51: {  	_ =	shalt  }
0x52: {  	_ =	shalt  }
0x53: {  	_ =	shalt  }
0x54: {  	_ =	shalt  }
0x55: {  	_ =	shalt  }
0x56: {  	_ =	shalt  }
0x57: {  	_ =	shalt  }
0x58: {  	_ =	shalt  }
0x59: {  	_ =	shalt  }
0x5a: {  	_ =	shalt  }
0x5b: {  	_ =	shalt  }
0x5c: {  	_ =	shalt  }
0x5d: {  	_ =	shalt  }
0x5e: {  	_ =	shalt  }
0x5f: {  	_ =	shalt  }
0x60: {  	_ =	shalt  }
0x61: {  	_ =	shalt  }
0x62: {  	_ =	shalt  }
0x63: {  	_ =	shalt  }
0x64: {  	_ =	shalt  }
0x65: {  	_ =	shalt  }
0x66: {  	_ =	shalt  }
0x67: {  	_ =	shalt  }
0x68: {  	_ =	shalt  }
0x69: {  	_ =	shalt  }
0x6a: {  	_ =	shalt  }
0x6b: {  	_ =	shalt  }
0x6c: {  	_ =	shalt  }
0x6d: {  	_ =	shalt  }
0x6e: {  	_ =	shalt  }
0x6f: {  	_ =	shalt  }
0x70: {  	_ =	shalt  }
0x71: {  	_ =	shalt  }
0x72: {  	_ =	shalt  }
0x73: {  	_ =	shalt  }
0x74: {  	_ =	shalt  }
0x75: {  	_ =	shalt  }
0x76: {  	_ =	shalt  }
0x77: {  	_ =	shalt  }
0x78: {  	_ =	shalt  }
0x79: {  	_ =	shalt  }
0x7a: {  	_ =	shalt  }
0x7b: {  	_ =	shalt  }
0x7c: {  	_ =	shalt  }
0x7d: {  	_ =	shalt  }
0x7e: {  	_ =	shalt  }
0x7f: {  	_ =	shalt  }
0x80: {  	_ =	shalt  }
0x81: {  	_ =	shalt  }
0x82: {  	_ =	shalt  }
0x83: {  	_ =	shalt  }
0x84: {  	_ =	shalt  }
0x85: {  	_ =	shalt  }
0x86: {  	_ =	shalt  }
0x87: {  	_ =	shalt  }
.Lfunc_end0:
.L_simem_size_0:
called_computation_lowered:
.L_overlay_start_0:
0x88: {  	s2 =	sld [smem:$0x3FD9]  }
0x89: {  	s3 =	sld [smem:$0x3FFE];
	_ =	sdelay $0x1  }
0x8a: {  	s1 =	srdreg.scid  }
0x8b: {  	s0 =	sand.u32 $0x1, s1  }
0x8c: {  	s16 =	sshll.u32 s0, $0xA;
	s2 =	sadd.s32 s3, s2  }
0x8d: {  	s2 =	sadd.s32 s2, s16  }
0x8e: {  	[smem:$0x3FC5] =	sst s2  }
0x8f: {  	_ = 	snop  }
0x90: {  	(tm) =	ssettm $0x1  }
0x91: {  	s17 =	sld [smem:$0x3FFB];
	_ =	sdelay $0x3  }
0x92: {  	_ =	strace s17  }
0x93: {  	s2 =	sld [smem:$0x3FFC];
	_ =	sdelay $0x3  }
0x94: {  	_ =	strace s2  }
0x95: {  	s2 =	sld [smem:$0x3FFD];
	_ =	sdelay $0x3  }
0x96: {  	_ =	strace s2  }
0x97: {  	_ =	strace $0x8FFFFFFF  }
0x98: {  	s18 =	sld [smem:$0x3FDB];
	_ =	sdelay $0x1  }
0x99: {  	s19 =	simm.s32 $_scs_section_size  }
0x9a: {  	s4 =	simm.s32 $_size__tile_overlayer_lowered;
	s5 =	simm.s32 $_tile_overlayer_lowered  }
0x9b: {  	s22 =	simm.s32 $0x1BFF;
	s21 =	sshll.u32 s5, $0x1;
	s2 =	sadd.s32 s19, s18  }
0x9c: {  	s6 =	simm.s32 $0x0;
	s20 =	sshll.u32 s4, $0x1;
	s4 =	sadd.s32 s21, s2  }
0x9d: {  	[timem:s6], [sflag:s22] =	dma.local [hbm:s4], s20  }
0x9e: {  	_ =	swait.ge [sflag:s22], s20  }
0x9f: {  	s3 =	ssub.s32 $0x0, s20;
	[sflag:s22] =	ssyncset.done $0x0  }
0xa0: {  	[sflag:s22] =	ssyncadd.s32 s3;
	_ =	sdelay $0x1  }
0xa1: {  	s23 =	simm.s32 $0x1B8B  }
0xa2: {  	_ =	swait.ge [sflag:s23], $0x1  }
0xa3: {  	[sflag:s23] =	ssyncset.done $0x0  }
0xa4: {  	s25 =	simm.s32 $0x1B8E;
	s24 =	sld [smem:$0x3FFE];
	[sflag:s23] =	ssyncadd.s32 $0xFFFFFFFF  }
0xa5: {  	s26 =	simm.s32 $execute0_lowered;
	[smem:$0x3FD2] =	sst s25  }
0xa6: {  	s4 =	sshll.u32 s26, $0x1;
	_ =	strace $0x80000046;
	[dreg:$0x1] =	wrdreg $0xFFFFFFFF  }
0xa7: {  	s28 =	simm.s32 $_size_execute0_lowered;
	s2 =	sadd.s32 s2, s4;
	[dreg:$0x0] =	wrdreg $0x0  }
0xa8: {  	s4 =	sshll.u32 s28, $0x1;
	[dreg:$0x2] =	wrdreg s2  }
0xa9: {  	[dreg:$0x3] =	wrdreg s4  }
0xaa: {  	[dreg:$0x4] =	wrdreg $0xC0  }
0xab: {  	_ =	task [dreg:s6], $0x5FFFF  }
0xac: {  	[dreg:$0x1] =	wrdreg $0xFFFFFFFF  }
0xad: {  	[dreg:$0x0] =	wrdreg $0x60  }
0xae: {  	[dreg:$0x2] =	wrdreg s24  }
0xaf: {  	[dreg:$0x3] =	wrdreg $0x9  }
0xb0: {  	_ =	task.clear_ibuf [dreg:s6], $0x4FFFF;
	_ =	strace $0x90000046  }
0xb1: {  	s29 =	simm.s32 $0x9;
	_ =	strace $0x80000048  }
0xb2: {  	_ =	swait.ge [sflag:s29], $0x1  }
0xb3: {  	[sflag:s29] =	ssyncadd.s32 $0xFFFFFFFF  }
0xb4: {  	_ =	strace $0x90000048  }
0xb5: {  	_ =	sfence  }
0xb6: {  	s30 =	sld [smem:$0x0];
	_ =	sdelay $0x2  }
0xb7: {  	s31 =	sshll.u32 s1, $0xD;
	s1 =	sshrl.u32 s1, $0x2  }
0xb8: {  	s3 =	sand.u32 $0x4000, s31;
	s1 =	sadd.s32 s1, s30  }
0xb9: {  	s0 =	sor.u32 s3, s0;
	s1 =	sshll.u32 s1, $0x11  }
0xba: {  	s0 =	sor.u32 s1, s0  }
0xbb: {  	s0 =	sadd.s32 $0x8F2B, s0  }
0xbc: {  	[sflag:s0] =	ssyncadd.remote.s32 $0x1  }
0xbd: {  	_ =	sfence.sel $0xFFFF  }
0xbe: {  	[dreg:$0x0] =	wrdreg $0xFFFFFFFF;
	(pc) =	sbr.abs _section_cstart, $3  }
0xbf: {  	[dreg:$0x1] =	wrdreg $0xFFFFFFFF  }
0xc0: {  	_ =	task.clear_ibuf [dreg:s6], $0x2FFFF;
	_ =	strace $0x9FFFFFFF  }
0xc1: {  	(tm) =	ssettm $0x7FFFFFFF  }
tec
execute0_lowered:
.L_overlay_start_1:
0x0: {  	(tag) =	ssettag $0x1  }
0x1: {  	s0 =	srdreg.scid;
	s5 =	rddreg [dreg:$0x0]  }
0x2: {  	s1 =	stileid.u32;
	s6 =	simm.s32 $0x1;
	s9 =	simm.s32 $0x1  }
0x3: {  	s10 =	simm.s32 $0x3;
	s13 =	simm.s32 $0x0;
	s2 =	sshll.u32 s0, $0xD  }
0x4: {  	s12 =	simm.s32 $0x0;
	s3 =	sshll.u32 s1, $0xE;
	s2 =	sand.u32 $0x2000, s2  }
0x5: {  	s0 =	rddreg [dreg:$0x1];
	_ =	strace $0x80000047;
	s2 =	sor.u32 s3, s2  }
0x6: {  	s4 =	sadd.s32 $0x13400, s5;
	[sflag:s6] =	ssyncpa.u1 $0x0;
	s8 =	ssub.s32 $0x68000, s2  }
.Ltmp0:
0x7: {  	s3 =	sadd.s32 $0x20400, s5;
	s7 =	sand.u32 $0x3E000, s8;
	(pc) =	sbr.rel .LBB2_1-.Ltmp0, $4  }
0x8: {  	s5 =	sadd.s32 $0x1B3800, s5;
	s11 =	smov.u32 s2;
	p0 =	sne.s32 s7, $0x0  }
0x9: {  	s8 =	sshrl.u32 s8, $0x12;
	s7 =	simm.s32 $0x2;
	s9 =	simm.s32 @!p0 $0x0  }
0xa: {  	[sflag:s7] =	ssyncpa.u1 $0x0;
	p0 =	por $0x0, $0x0;
	s8 =	sadd.s32 s9, s8  }
0xb: {  	vm0 =	vmmov $0xffff;
	[sflag:s10] =	ssyncpa.u1 $0x0;
	s10 =	simm.s32 $0x0;
	s9 =	sadd.s32 $0x1, s8  }
.LBB2_4:
0xc: {  	vm1 =	veq.s32 v0, $0x80000000;
	v63 =	vand.u32 $0x7FF, v0;
	v2 =	vand.u32 $0xFF, v2  }
0xd: {  	v0 =	vsel vm1, $0xFFFFFFFF, v63;
	v2 =	vsel vm1, $0xFFFFFFFF, v2  }
0xe: {  	v3 =	vshll.u32 v2, $0xB;
	v4 =	vshll.u32 v0, $0x3  }
0xf: {  	v2 =	vshll.u32 v2, $0x7;
	v3 =	vand.u32 $0xFFFFC000, v3;
	v4 =	vand.u32 $0xFFFFFC00, v4  }
0x10: {  	v2 =	vand.u32 $0x380, v2;
	v3 =	vadd.s32 v4, v3  }
0x11: {  	v0 =	vand.u32 $0x7F, v0;
	v2 =	vor.u32 v2, v3  }
0x12: {  	v0 =	vor.u32 v0, v2;
	_ =	sdelay $0x1  }
0x13: {  	(ifvalue) =	ssetifvalue $0x7FFFFFFF;
	s14 =	sadd.s32 $0x10, s14  }
0x14: {  	[tilespmem:s14], [sflag:$0x1] =	stream.indirect_vreg.gather [hbm4b:s3+s10], $0x1, v1, vm0, $0x4038;
	[tilespmem:$0x8000] =	vst v63  }
0x15: {  	(ifvalue) =	ssetifvalue $0x7FFFFFFF;
	s14 =	sadd.s32 $0x10, s14  }
0x16: {  	[tilespmem:s14], [sflag:$0x1] =	stream.indirect_vreg.gather [hbm4b:s3+s10], $0x1, v0, vm0, $0x4038;
	[tilespmem:$0x8000] =	vst v63  }
0x17: {  	_ =	swait.ge [sflag:s6], $0x2000  }
0x18: {  	s30 =	sshrl.u32 s13, $0x3;
	[sflag:s6] =	ssyncset.done $0x0  }
0x19: {  	s31 =	sand.u32 $0x7, s13;
	s14 =	sadd.s32 s5, s30;
	[sflag:s6] =	ssyncadd.s32 $0xFFFFE000  }
0x1a: {  	[hbm4b:s14+s31] =	stream.linear.scatter [tilespmem:s15], [sflag:$0x3], $0x2000, $0x38;
	[tilespmem:$0x8000] =	vst v63  }
.LBB2_5:
0x1b: {  	s15 =	sadd.s32 $0x40000, s11  }
0x1c: {  	p2 =	sgt.s32 s15, $0x67FFF  }
0x1d: {  	s15 =	smov.u32 @p2 s2;
	p2 =	sne.s32 s12, s9  }
.Ltmp1:
0x1e: {  	p1 =	slt.u32 s12, $0x2;
	(pc) =	sbr.rel @!p2 .LBB2_6-.Ltmp1, $4  }
0x1f: {  	s14 =	simm.s32 @!p1 $0x3  }
0x20: {  	s16 =	sadd.s32 $0x1, s12;
	_ =	swait.ge @!p1 [sflag:s14], $0x2000  }
0x21: {  	s13 =	smov.u32 s11;
	p0 =	por !p0, !p0;
	[sflag:s14] =	ssyncset.done @!p1 $0x0  }
0x22: {  	s12 =	smov.u32 s16;
	s11 =	smov.u32 s15;
	[sflag:s14] =	ssyncadd.s32 @!p1 $0xFFFFE000  }
.LBB2_1:
0x23: {  	p1 =	sge.u32 s12, s8  }
0x24: {  	s14 =	sxor.u32 @!p1 $0xFFFFFFFF, s12  }
0x25: {  	s31 =	sadd.s32 $0xFFFFFFFF, s12;
	s15 =	sshrl.u32 @!p1 s11, $0x3;
	s14 =	sshll.u32 @!p1 s14, $0xD  }
0x26: {  	s16 =	sand.u32 @!p1 $0x7, s11;
	s15 =	sadd.s32 @!p1 s4, s15;
	s14 =	sand.u32 @!p1 $0x2000, s14  }
0x27: {  	[tilespmem:s14], [sflag:$0x2] =	stream.linear.gather @!p1 [hbm4b:s15+s16], $0x2000, $0x38;
	[tilespmem:$0x8000] =	vst v63  }
0x28: {  	p1 =	sge.u32 s31, s8  }
.Ltmp2:
0x29: {  	_ = 	snop;
	(pc) =	sbr.rel @p1 .LBB2_5-.Ltmp2, $1  }
0x2a: {  	_ =	sdelay $0x3  }
0x2b: {  	s14 =	simm.s32 $0x1  }
0x2c: {  	_ =	swait.ge [sflag:s7], $0x2000;
	s14 =	simm.s32 @!p0 $0x0  }
0x2d: {  	[sflag:s7] =	ssyncset.done $0x0;
	s14 =	sshll.u32 s14, $0xD  }
0x2e: {  	[sflag:s7] =	ssyncadd.s32 $0xFFFFE000;
	(ifvalue) =	ssetifvalue $0x7FFFFFFF;
	v0 =	vld.msk [tilespmem:s14+$0x0 ss:$0x1], $0xffff;
	_ =	sdelay $0x4  }
0x2f: {  	s15 =	sadd.s32 $0x10, s14;
	v1 =	vshrl.u32 v0, $0xB  }
0x30: {  	v2 =	vld.msk [tilespmem:s15+$0x0 ss:$0x1], $0xffff;
	vm1 =	veq.s32 v0, $0x80000000;
	v0 =	vand.u32 $0x7FF, v0;
	v1 =	vand.u32 $0xFF, v1  }
0x31: {  	v0 =	vsel vm1, $0xFFFFFFFF, v0;
	v1 =	vsel vm1, $0xFFFFFFFF, v1  }
0x32: {  	v4 =	vshll.u32 v0, $0x3;
	v3 =	vshll.u32 v1, $0xB  }
0x33: {  	v4 =	vand.u32 $0xFFFFFC00, v4;
	v1 =	vshll.u32 v1, $0x7;
	v3 =	vand.u32 $0xFFFFC000, v3  }
0x34: {  	v0 =	vand.u32 $0x7F, v0;
	v1 =	vand.u32 $0x380, v1;
	v3 =	vadd.s32 v4, v3  }
0x35: {  	vm1 =	veq.s32 v2, $0x80000000;
	v1 =	vor.u32 v1, v3;
	v3 =	vshrl.u32 v2, $0xB  }
0x36: {  	s17 =	sadd.s32 $0x10, s15;
	v2 =	vand.u32 $0x7FF, v2;
	v1 =	vor.u32 v0, v1;
	v3 =	vand.u32 $0xFF, v3  }
0x37: {  	v0 =	vld.msk [tilespmem:s17+$0x0 ss:$0x1], $0xffff;
	v2 =	vsel vm1, $0xFFFFFFFF, v2;
	v3 =	vsel vm1, $0xFFFFFFFF, v3  }
0x38: {  	v5 =	vshll.u32 v2, $0x3;
	v63 =	vshll.u32 v3, $0xB  }
0x39: {  	s31 =	sshll.u32 s12, $0xD;
	v5 =	vand.u32 $0xFFFFFC00, v5;
	v3 =	vshll.u32 v3, $0x7;
	v4 =	vand.u32 $0xFFFFC000, v63  }
0x3a: {  	s14 =	sor.u32 $0x4000, s14;
	s15 =	sand.u32 $0x2000, s31;
	(ifvalue) =	ssetifvalue $0x7FFFFFFF;
	v3 =	vand.u32 $0x380, v3;
	v4 =	vadd.s32 v5, v4  }
0x3b: {  	[tilespmem:s14], [sflag:$0x1] =	stream.indirect_vreg.gather [hbm4b:s3+s10], $0x1, v1, vm0, $0x4038;
	v1 =	vand.u32 $0x7F, v2;
	v3 =	vor.u32 v3, v4;
	[tilespmem:$0x8000] =	vst v63  }
0x3c: {  	s16 =	simm.s32 $0x20;
	s15 =	sor.u32 $0x4000, s15;
	s17 =	sadd.s32 $0x10, s17;
	v2 =	vshrl.u32 v0, $0xB;
	v1 =	vor.u32 v1, v3  }
.LBB2_3:
0x3d: {  	s16 =	sadd.s32 $0x10, s16;
	vm1 =	veq.s32 v0, $0x80000000;
	v3 =	vand.u32 $0x7FF, v0;
	v0 =	vld.msk [tilespmem:s17+$0x0 ss:$0x1], $0xffff;
	v2 =	vand.u32 $0xFF, v2  }
0x3e: {  	p1 =	slt.u32 s16, $0x1FF0;
	v3 =	vsel vm1, $0xFFFFFFFF, v3;
	v2 =	vsel vm1, $0xFFFFFFFF, v2  }
.Ltmp3:
0x3f: {  	v4 =	vshll.u32 v2, $0xB;
	v5 =	vshll.u32 v3, $0x3;
	(pc) =	sbr.rel @p1 .LBB2_3-.Ltmp3, $4  }
0x40: {  	s14 =	sadd.s32 $0x10, s14;
	v2 =	vshll.u32 v2, $0x7;
	v4 =	vand.u32 $0xFFFFC000, v4;
	v5 =	vand.u32 $0xFFFFFC00, v5;
	(ifvalue) =	ssetifvalue $0x7FFFFFFF  }
0x41: {  	v2 =	vand.u32 $0x380, v2;
	v4 =	vadd.s32 v5, v4;
	[tilespmem:s14], [sflag:$0x1] =	stream.indirect_vreg.gather [hbm4b:s3+s10], $0x1, v1, vm0, $0x4038;
	[tilespmem:$0x8000] =	vst v63  }
0x42: {  	v1 =	vand.u32 $0x7F, v3;
	v3 =	vor.u32 v2, v4  }
0x43: {  	s17 =	sadd.s32 $0x10, s17;
	v2 =	vshrl.u32 v0, $0xB;
	v1 =	vor.u32 v1, v3  }
.Ltmp4:
0x44: {  	_ = 	snop;
	(pc) =	sbr.rel .LBB2_4-.Ltmp4, $1  }
0x45: {  	_ =	sdelay $0x3  }
.LBB2_6:
0x46: {  	_ =	sfence.sel $0x180000  }
0x47: {  	s2 =	simm.s32 $0x2;
	[bflag:$0x0] =	sbarrier.arrive $0xFFFF  }
0x48: {  	s30 =	simm.s32 $0x3;
	[sflag:s2] =	ssyncpa.u1 $0x1  }
0x49: {  	s31 =	simm.s32 $0x1;
	[sflag:s30] =	ssyncpa.u1 $0x1  }
0x4a: {  	[sflag:s31] =	ssyncpa.u1 $0x1  }
0x4b: {  	p0 =	sne.s32 s1, $0x0;
	_ =	strace $0x90000047  }
0x4c: {  	s0 =	sadd.s32 @!p0 $0x100000, s0;
	[bflag:$0x2] =	sbarrier.arrive $0xFFFF  }
0x4d: {  	[sflag:s0] =	ssyncadd.tile.s32 @!p0 $0x1;
	_ =	shalt  }
.Lfunc_end2:
_tile_overlayer_lowered:
.L_overlay_start_2:
0x4e: {  	(tag) =	ssettag $0x2  }
0x4f: {  	s0 =	rddreg [dreg:$0x0];
	s2 =	stileid.u32  }
0x50: {  	s1 =	rddreg [dreg:$0x1];
	p0 =	sne.s32 s2, $0x0  }
0x51: {  	s3 =	rddreg [dreg:$0x2];
	[bflag:$0x3] =	sbarrier.arrive $0xFFFF;
	s2 =	simm.s32 @!p0 $0x1C01  }
0x52: {  	[timem:s3], [sflag:s2] =	dma.local @!p0 [hbm:s0], s1  }
0x53: {  	s0 =	simm.s32 @!p0 $0x1  }
0x54: {  	_ =	swait.ge @!p0 [sflag:s0], s1  }
0x55: {  	s1 =	ssub.s32 @!p0 $0x0, s1;
	[sflag:s0] =	ssyncset.done @!p0 $0x0  }
0x56: {  	[sflag:s0] =	ssyncadd.s32 @!p0 s1  }
0x57: {  	[bflag:$0x3] =	sbarrier.arrive $0xFFFF  }
0x58: {  	_ =	shalt  }

// kernel: kernel.4.cloned.1.call-start
scs
__scs_entry_jumppad:
0x0: {  	(pc) =	sbr.rel $0x88, $3  }
0x1: {  	(tag) =	ssettag $0x0;
	lr =	simm.s32 $0x1  }
0x2: {  	[smem:$0x3F9E] =	sst lr;
	_ =	strace $0xD0000000  }
0x3: {  	_ = 	snop  }
0x4: {  	_ = 	snop  }
0x5: {  	_ = 	snop  }
0x6: {  	_ = 	snop  }
0x7: {  	_ = 	snop  }
__scs_overlays_trampoline_lowered:
0x8: {  	[smem:$0x3FAD] =	sst s0  }
0x9: {  	[smem:$0x3FAE] =	sst s1  }
0xa: {  	[smem:$0x3FAF] =	sst s2  }
0xb: {  	[smem:$0x3FB0] =	sst s3  }
0xc: {  	[smem:$0x3FB1] =	sst s4  }
0xd: {  	[smem:$0x3FB2] =	sst s5  }
0xe: {  	[smem:$0x3FB3] =	sst s6  }
0xf: {  	[smem:$0x3FB4] =	sst s7  }
0x10: {  	[smem:$0x3FB5] =	sst s8  }
0x11: {  	[smem:$0x3FB6] =	sst s9;
	s0 =	simm.s32 @!p0 $0x0  }
0x12: {  	s1 =	sld [smem:$0x3F9C];
	s0 =	simm.s32 @p0 $0x1  }
0x13: {  	[smem:$0x3FB7] =	sst s0;
	s0 =	simm.s32 @!p1 $0x0  }
0x14: {  	s2 =	sld [smem:$0x3F9B];
	s0 =	simm.s32 @p1 $0x1  }
0x15: {  	[smem:$0x3FB8] =	sst s0;
	s0 =	simm.s32 @!p2 $0x0  }
0x16: {  	s3 =	sld [smem:$0x3FDB];
	s0 =	simm.s32 @p2 $0x1  }
0x17: {  	s4 =	simm.s32 $0x1BF5;
	[smem:$0x3FBA] =	sst s0  }
0x18: {  	s0 =	sld [smem:$0x3F9D];
	_ =	swait.ge [sflag:s4], $0x0  }
0x19: {  	s7 =	sld [smem:$0x3F9E]  }
0x1a: {  	s8 =	sadd.s32 $0xFFFFE003, lr  }
0x1b: {  	s9 =	sadd.s32 $0xFFFFFEF7, lr;
	s5 =	simm.s32 $0xFFFFFFFF;
	p2 =	slt.u32 s8, $0xFFFFF086  }
0x1c: {  	p1 =	slt.u32 s9, $0xF7A;
	s5 =	simm.s32 @!p2 $0x0  }
0x1d: {  	s5 =	simm.s32 @p1 $0x1;
	p0 =	seq.s32 s7, s2  }
0x1e: {  	s7 =	smul.u32 @!p0 $0xF7A, s2;
	p2 =	seq.s32 @!p0 s5, $0x0  }
0x1f: {  	s9 =	smul.u32 $0xF7A, s1;
	s8 =	simm.s32 @!p0 $0x1BF5;
	p2 =	por !p2, p0  }
0x20: {  	[sflag:s8] =	ssyncset.s32 @!p0 $0xFFFFF086;
	s6 =	sadd.s32 @!p0 s3, s7;
	s7 =	simm.s32 @!p0 $0x108  }
0x21: {  	s3 =	sadd.s32 s3, s9;
	s6 =	sadd.s32 @!p0 $0x88, s6;
	s7 =	simm.s32 @p2 $0x1082  }
0x22: {  	[simem:s7], [sflag:s8] =	dma.local @!p0 [hbm:s6], $0xF7A  }
0x23: {  	s9 =	sor.u32 $0xD0000000, s2;
	s6 =	simm.s32 $0x108;
	_ =	swait.ge @!p0 [sflag:s8], $0x0  }
0x24: {  	s3 =	sadd.s32 $0x88, s3;
	s6 =	simm.s32 @!p1 $0x1082;
	[sflag:s4] =	ssyncset.s32 $0xFFFFF086  }
0x25: {  	[simem:s6], [sflag:s4] =	dma.local [hbm:s3], $0xF7A  }
0x26: {  	[smem:$0x3F9E] =	sst s1;
	(tag) =	ssettag s2;
	_ =	strace s9  }
0x27: {  	s1 =	sld [smem:$0x3FAE]  }
0x28: {  	s2 =	sld [smem:$0x3FAF]  }
0x29: {  	s4 =	sld [smem:$0x3FB1]  }
0x2a: {  	p0 =	seq.s32 s5, $0x0;
	s5 =	sld [smem:$0x3FB2]  }
0x2b: {  	s6 =	sld [smem:$0x3FB3]  }
0x2c: {  	s7 =	sld [smem:$0x3FB4]  }
0x2d: {  	s3 =	simm.s32 $0x108;
	s8 =	sld [smem:$0x3FB5]  }
0x2e: {  	s3 =	simm.s32 @!p0 $0x1082;
	s9 =	sld [smem:$0x3FB6]  }
0x2f: {  	lr =	sadd.s32 s0, s3;
	s0 =	sld [smem:$0x3FAD]  }
0x30: {  	s3 =	sld [smem:$0x3FB0]  }
0x31: {  	[smem:$0x3FB9] =	sst s10  }
0x32: {  	s10 =	sld [smem:$0x3FB7];
	_ =	sdelay $0x3  }
0x33: {  	p0 =	seq.s32 s10, $0x1;
	s10 =	sld [smem:$0x3FB9];
	_ =	sdelay $0x3  }
0x34: {  	[smem:$0x3FB9] =	sst s10  }
0x35: {  	s10 =	sld [smem:$0x3FB8];
	_ =	sdelay $0x3  }
0x36: {  	p1 =	seq.s32 s10, $0x1;
	s10 =	sld [smem:$0x3FB9];
	_ =	sdelay $0x3  }
0x37: {  	[smem:$0x3FB9] =	sst s10  }
0x38: {  	s10 =	sld [smem:$0x3FBA]  }
0x39: {  	_ = 	snop;
	(pc) =	sbr.ind lr, $3  }
0x3a: {  	_ = 	snop  }
0x3b: {  	_ = 	snop  }
0x3c: {  	p2 =	seq.s32 s10, $0x1;
	s10 =	sld [smem:$0x3FB9]  }
0x3d: {  	_ =	shalt  }
0x3e: {  	_ =	shalt  }
0x3f: {  	_ =	shalt  }
0x40: {  	_ =	shalt  }
0x41: {  	_ =	shalt  }
0x42: {  	_ =	shalt  }
0x43: {  	_ =	shalt  }
0x44: {  	_ =	shalt  }
0x45: {  	_ =	shalt  }
0x46: {  	_ =	shalt  }
0x47: {  	_ =	shalt  }
0x48: {  	_ =	shalt  }
0x49: {  	_ =	shalt  }
0x4a: {  	_ =	shalt  }
0x4b: {  	_ =	shalt  }
0x4c: {  	_ =	shalt  }
0x4d: {  	_ =	shalt  }
0x4e: {  	_ =	shalt  }
0x4f: {  	_ =	shalt  }
0x50: {  	_ =	shalt  }
0x51: {  	_ =	shalt  }
0x52: {  	_ =	shalt  }
0x53: {  	_ =	shalt  }
0x54: {  	_ =	shalt  }
0x55: {  	_ =	shalt  }
0x56: {  	_ =	shalt  }
0x57: {  	_ =	shalt  }
0x58: {  	_ =	shalt  }
0x59: {  	_ =	shalt  }
0x5a: {  	_ =	shalt  }
0x5b: {  	_ =	shalt  }
0x5c: {  	_ =	shalt  }
0x5d: {  	_ =	shalt  }
0x5e: {  	_ =	shalt  }
0x5f: {  	_ =	shalt  }
0x60: {  	_ =	shalt  }
0x61: {  	_ =	shalt  }
0x62: {  	_ =	shalt  }
0x63: {  	_ =	shalt  }
0x64: {  	_ =	shalt  }
0x65: {  	_ =	shalt  }
0x66: {  	_ =	shalt  }
0x67: {  	_ =	shalt  }
0x68: {  	_ =	shalt  }
0x69: {  	_ =	shalt  }
0x6a: {  	_ =	shalt  }
0x6b: {  	_ =	shalt  }
0x6c: {  	_ =	shalt  }
0x6d: {  	_ =	shalt  }
0x6e: {  	_ =	shalt  }
0x6f: {  	_ =	shalt  }
0x70: {  	_ =	shalt  }
0x71: {  	_ =	shalt  }
0x72: {  	_ =	shalt  }
0x73: {  	_ =	shalt  }
0x74: {  	_ =	shalt  }
0x75: {  	_ =	shalt  }
0x76: {  	_ =	shalt  }
0x77: {  	_ =	shalt  }
0x78: {  	_ =	shalt  }
0x79: {  	_ =	shalt  }
0x7a: {  	_ =	shalt  }
0x7b: {  	_ =	shalt  }
0x7c: {  	_ =	shalt  }
0x7d: {  	_ =	shalt  }
0x7e: {  	_ =	shalt  }
0x7f: {  	_ =	shalt  }
0x80: {  	_ =	shalt  }
0x81: {  	_ =	shalt  }
0x82: {  	_ =	shalt  }
0x83: {  	_ =	shalt  }
0x84: {  	_ =	shalt  }
0x85: {  	_ =	shalt  }
0x86: {  	_ =	shalt  }
0x87: {  	_ =	shalt  }
.Lfunc_end0:
.L_simem_size_0:
called_computation.1_lowered:
.L_overlay_start_0:
0x88: {  	s2 =	sld [smem:$0x3FD9]  }
0x89: {  	s3 =	sld [smem:$0x3FFE];
	_ =	sdelay $0x1  }
0x8a: {  	s1 =	srdreg.scid  }
0x8b: {  	s0 =	sand.u32 $0x1, s1  }
0x8c: {  	s16 =	sshll.u32 s0, $0xA;
	s2 =	sadd.s32 s3, s2  }
0x8d: {  	s2 =	sadd.s32 s2, s16  }
0x8e: {  	[smem:$0x3FC5] =	sst s2  }
0x8f: {  	_ = 	snop  }
0x90: {  	(tm) =	ssettm $0x1  }
0x91: {  	s17 =	sld [smem:$0x3FFB];
	_ =	sdelay $0x3  }
0x92: {  	_ =	strace s17  }
0x93: {  	s2 =	sld [smem:$0x3FFC];
	_ =	sdelay $0x3  }
0x94: {  	_ =	strace s2  }
0x95: {  	s2 =	sld [smem:$0x3FFD];
	_ =	sdelay $0x3  }
0x96: {  	_ =	strace s2  }
0x97: {  	_ =	strace $0x8FFFFFFF  }
0x98: {  	s18 =	sld [smem:$0x3FDB];
	_ =	sdelay $0x1  }
0x99: {  	s19 =	simm.s32 $_scs_section_size  }
0x9a: {  	s4 =	simm.s32 $_size__tile_overlayer_lowered;
	s5 =	simm.s32 $_tile_overlayer_lowered  }
0x9b: {  	s22 =	simm.s32 $0x1BFF;
	s21 =	sshll.u32 s5, $0x1;
	s2 =	sadd.s32 s19, s18  }
0x9c: {  	s6 =	simm.s32 $0x0;
	s20 =	sshll.u32 s4, $0x1;
	s4 =	sadd.s32 s21, s2  }
0x9d: {  	[timem:s6], [sflag:s22] =	dma.local [hbm:s4], s20  }
0x9e: {  	_ =	swait.ge [sflag:s22], s20  }
0x9f: {  	s3 =	ssub.s32 $0x0, s20;
	[sflag:s22] =	ssyncset.done $0x0  }
0xa0: {  	[sflag:s22] =	ssyncadd.s32 s3;
	_ =	sdelay $0x1  }
0xa1: {  	s23 =	simm.s32 $0x1B8B  }
0xa2: {  	_ =	swait.ge [sflag:s23], $0x1  }
0xa3: {  	[sflag:s23] =	ssyncset.done $0x0  }
0xa4: {  	s25 =	simm.s32 $0x1B8E;
	s24 =	sld [smem:$0x3FFE];
	[sflag:s23] =	ssyncadd.s32 $0xFFFFFFFF  }
0xa5: {  	s26 =	simm.s32 $execute0_lowered;
	[smem:$0x3FD2] =	sst s25  }
0xa6: {  	s4 =	sshll.u32 s26, $0x1;
	_ =	strace $0x80000049;
	[dreg:$0x1] =	wrdreg $0xFFFFFFFF  }
0xa7: {  	s28 =	simm.s32 $_size_execute0_lowered;
	s2 =	sadd.s32 s2, s4;
	[dreg:$0x0] =	wrdreg $0x0  }
0xa8: {  	s4 =	sshll.u32 s28, $0x1;
	[dreg:$0x2] =	wrdreg s2  }
0xa9: {  	[dreg:$0x3] =	wrdreg s4  }
0xaa: {  	[dreg:$0x4] =	wrdreg $0xC0  }
0xab: {  	_ =	task [dreg:s6], $0x5FFFF  }
0xac: {  	[dreg:$0x1] =	wrdreg $0xFFFFFFFF  }
0xad: {  	[dreg:$0x0] =	wrdreg $0x60  }
0xae: {  	[dreg:$0x2] =	wrdreg s24  }
0xaf: {  	[dreg:$0x3] =	wrdreg $0x9  }
0xb0: {  	_ =	task.clear_ibuf [dreg:s6], $0x4FFFF;
	_ =	strace $0x90000049  }
0xb1: {  	s29 =	simm.s32 $0x9;
	_ =	strace $0x8000004B  }
0xb2: {  	_ =	swait.ge [sflag:s29], $0x1  }
0xb3: {  	[sflag:s29] =	ssyncadd.s32 $0xFFFFFFFF  }
0xb4: {  	_ =	strace $0x9000004B  }
0xb5: {  	_ =	sfence  }
0xb6: {  	s30 =	sld [smem:$0x0];
	_ =	sdelay $0x2  }
0xb7: {  	s31 =	sshll.u32 s1, $0xD;
	s1 =	sshrl.u32 s1, $0x2  }
0xb8: {  	s3 =	sand.u32 $0x4000, s31;
	s1 =	sadd.s32 s1, s30  }
0xb9: {  	s0 =	sor.u32 s3, s0;
	s1 =	sshll.u32 s1, $0x11  }
0xba: {  	s0 =	sor.u32 s1, s0  }
0xbb: {  	s0 =	sadd.s32 $0x8F2B, s0  }
0xbc: {  	[sflag:s0] =	ssyncadd.remote.s32 $0x1  }
0xbd: {  	_ =	sfence.sel $0xFFFF  }
0xbe: {  	[dreg:$0x0] =	wrdreg $0xFFFFFFFF;
	(pc) =	sbr.abs _section_cstart, $3  }
0xbf: {  	[dreg:$0x1] =	wrdreg $0xFFFFFFFF  }
0xc0: {  	_ =	task.clear_ibuf [dreg:s6], $0x2FFFF;
	_ =	strace $0x9FFFFFFF  }
0xc1: {  	(tm) =	ssettm $0x7FFFFFFF  }
tec
execute0_lowered:
.L_overlay_start_1:
0x0: {  	(tag) =	ssettag $0x1  }
0x1: {  	s1 =	srdreg.scid  }
0x2: {  	s0 =	stileid.u32;
	s7 =	rddreg [dreg:$0x0]  }
0x3: {  	s11 =	simm.s32 $0x6800;
	s12 =	simm.s32 $0xB800;
	s4 =	sand.u32 $0x1, s1  }
0x4: {  	s13 =	simm.s32 $0x1;
	s30 =	sshll.u32 s0, $0x7;
	s2 =	sshll.u32 s4, $0x6  }
0x5: {  	s14 =	simm.s32 $0xA800;
	s15 =	simm.s32 $0x0;
	s5 =	sor.u32 s2, s30  }
0x6: {  	s1 =	rddreg [dreg:$0x1];
	s9 =	ssub.s32 $0x2, s4;
	s3 =	smul.u32 $0x6, s5  }
0x7: {  	s2 =	simm.s32 $0x0;
	s31 =	sshrl.u32 s9, $0x1;
	s8 =	smul.u32 $0x1A, s5  }
.Ltmp0:
0x8: {  	[smem:$0x7FF] =	sst s2;
	s5 =	sshll.u32 s5, $0x3;
	(pc) =	sbr.rel .LBB2_1-.Ltmp0, $4  }
0x9: {  	s9 =	ssub.s32 s9, s31;
	_ =	strace $0x8000004A;
	s10 =	sadd.s32 s5, s7  }
0xa: {  	s9 =	smax.u32 s9, $0x1;
	s6 =	sadd.s32 s3, s7;
	s3 =	sadd.s32 $0x1C0800, s7  }
0xb: {  	s4 =	sadd.s32 s7, s8;
	s7 =	sadd.s32 $0x283D00, s7;
	s8 =	sadd.s32 $0x20400, s10  }
0xc: {  	v0 =	vimm.s32 $0x0;
	vm0 =	vmmov $0xffff;
	s10 =	simm.s32 $0x2;
	s5 =	sadd.s32 $0x13400, s4;
	s6 =	sadd.s32 $0x10400, s6  }
.LBB2_15:
0xd: {  	s15 =	sadd.s32 $0x1, s15  }
0xe: {  	p0 =	sne.s32 s15, s9  }
.Ltmp1:
0xf: {  	_ = 	snop;
	(pc) =	sbr.rel @!p0 .LBB2_16-.Ltmp1, $4  }
0x10: {  	[hbm4b:s8+s2] =	stream.linear.scatter [tilespmem:s14], [sflag:$0x2], $0x1000, $0x38;
	[tilespmem:$0xBA00] =	vst v63  }
0x11: {  	_ =	swait.ge [sflag:s10], $0x1000  }
0x12: {  	[sflag:s10] =	ssyncset.done $0x0  }
0x13: {  	[sflag:s10] =	ssyncadd.s32 $0xFFFFF000  }
.LBB2_1:
0x14: {  	[tilespmem:s2], [sflag:$0x2] =	stream.linear.gather [hbm4b:s4+s2], $0x3400, $0x38;
	[tilespmem:$0xBA00] =	vst v63  }
0x15: {  	_ =	swait.ge [sflag:s10], $0x3400  }
0x16: {  	[sflag:s10] =	ssyncset.done $0x0  }
0x17: {  	s16 =	simm.s32 $0x3400;
	[sflag:s10] =	ssyncadd.s32 $0xFFFFCC00  }
0x18: {  	[tilespmem:s16], [sflag:$0x2] =	stream.linear.gather [hbm4b:s5+s2], $0x3400, $0x38;
	[tilespmem:$0xBA00] =	vst v63  }
0x19: {  	_ =	swait.ge [sflag:s10], $0x3400  }
0x1a: {  	[sflag:s10] =	ssyncset.done $0x0  }
0x1b: {  	[sflag:s10] =	ssyncadd.s32 $0xFFFFCC00  }
0x1c: {  	[tilespmem:s11], [sflag:$0x2] =	stream.linear.gather [hbm4b:s6+s2], $0xC00, $0x38;
	[tilespmem:$0xBA00] =	vst v63  }
0x1d: {  	_ =	swait.ge [sflag:s10], $0xC00  }
0x1e: {  	[sflag:s10] =	ssyncset.done $0x0  }
0x1f: {  	[sflag:s10] =	ssyncadd.s32 $0xFFFFF400  }
0x20: {  	[tilespmem:s12], [sflag:$0x2] =	stream.linear.gather [hbm4b:s7+s2], $0x40, $0x38;
	[tilespmem:$0xBA00] =	vst v63  }
.Ltmp2:
0x21: {  	_ = 	snop;
	(pc) =	sbr.rel .LBB2_2-.Ltmp2, $4  }
0x22: {  	_ =	swait.ge [sflag:s10], $0x40  }
0x23: {  	[sflag:s10] =	ssyncset.done $0x0  }
0x24: {  	[sflag:s10] =	ssyncadd.s32 $0xFFFFFFC0  }
0x25: {  	s17 =	simm.s32 $0x0;
	s18 =	simm.s32 $0x0;
	[tilespmem:$0xB840] =	vst v0  }
.LBB2_3:
0x26: {  	v5 =	vimm.f32 $0.0e+00  }
0x27: {  	v4 =	vimm.f32 $0.0e+00;
	v3 =	vimm.f32 $0.0e+00;
	v2 =	vimm.f32 $0.0e+00  }
.LBB2_14:
0x28: {  	v6 =	vld [tilespmem:$0xB800]  }
0x29: {  	s19 =	sshll.u32 s19, $0x4  }
0x2a: {  	v1 =	vsub.s32 s19, v1  }
0x2b: {  	v1 =	vcvt.s32.f32 v1;
	_ =	sdelay $0x1  }
0x2c: {  	v6 =	vmul.f32 v1, v6;
	_ =	sdelay $0x1  }
0x2d: {  	s31 =	sshll.u32 s18, $0x6;
	v5 =	vsub.f32 v5, v6  }
0x2e: {  	s19 =	sand.u32 $0x3FFFFFC0, s31  }
0x2f: {  	[tilespmem:s19+$0xA800] =	vst v5  }
0x30: {  	v5 =	vld [tilespmem:$0xB810];
	_ =	sdelay $0x4  }
0x31: {  	v5 =	vmul.f32 v1, v5;
	_ =	sdelay $0x1  }
0x32: {  	v4 =	vsub.f32 v4, v5;
	_ =	sdelay $0x1  }
0x33: {  	[tilespmem:s19+$0xA810] =	vst v4  }
0x34: {  	v4 =	vld [tilespmem:$0xB820];
	_ =	sdelay $0x4  }
0x35: {  	v4 =	vmul.f32 v1, v4;
	_ =	sdelay $0x1  }
0x36: {  	v3 =	vsub.f32 v3, v4;
	_ =	sdelay $0x1  }
0x37: {  	[tilespmem:s19+$0xA820] =	vst v3  }
0x38: {  	v3 =	vld [tilespmem:$0xB830];
	_ =	sdelay $0x2  }
0x39: {  	s18 =	sadd.s32 $0x1, s18  }
0x3a: {  	p0 =	sne.s32 s18, $0x40  }
.Ltmp3:
0x3b: {  	v1 =	vmul.f32 v1, v3;
	(pc) =	sbr.rel @!p0 .LBB2_15-.Ltmp3, $3  }
0x3c: {  	_ = 	snop  }
0x3d: {  	v1 =	vsub.f32 v2, v1;
	_ =	sdelay $0x1  }
0x3e: {  	s16 =	sadd.s32 $0xD0, s16;
	s17 =	sadd.s32 $0xD0, s17;
	[tilespmem:s19+$0xA830] =	vst v1  }
.LBB2_2:
0x3f: {  	s19 =	smul.u32 $0xC0, s18;
	_ =	sdelay $0x1  }
0x40: {  	s20 =	sshra.s32 s19, $0x2  }
0x41: {  	v1 =	vld [tilespmem:s20+$0x6820];
	_ =	sdelay $0x4  }
0x42: {  	(v2sf) =	vpush v1, $0x0;
	_ =	sdelay $0xe  }
0x43: {  	s19 =	spop (v2sf)  }
0x44: {  	p0 =	slt.s32 s19, $0x1  }
.Ltmp4:
0x45: {  	_ = 	snop;
	(pc) =	sbr.rel @p0 .LBB2_3-.Ltmp4, $3  }
0x46: {  	_ = 	snop  }
0x47: {  	v1 =	vld [tilespmem:s20+$0x6810];
	_ =	sdelay $0x1  }
0x48: {  	v2 =	vld [tilespmem:s20+$0x6800]  }
0x49: {  	v3 =	vld [tilespmem:s16+$0x0];
	p0 =	sne.s32 s19, $0x1  }
.Ltmp5:
0x4a: {  	_ = 	snop;
	(pc) =	sbr.rel @!p0 .LBB2_5-.Ltmp5, $3  }
0x4b: {  	_ =	sdelay $0x1  }
0x4c: {  	s22 =	simm.s32 $0x0  }
0x4d: {  	s21 =	simm.s32 $0x7400;
	s20 =	sadd.s32 $0xFFFFFFFF, s19;
	p1 =	por $0x0, $0x0;
	vm1 =	vlt.s32 v3, v2  }
0x4e: {  	v3 =	vsel vm1, $0x1, v0  }
0x4f: {  	[tilespmem:$0xB850] =	vst v3  }
0x50: {  	v4 =	vld [tilespmem:$0xB84F];
	_ =	sdelay $0x4  }
0x51: {  	v3 =	vadd.s32 v3, v4  }
0x52: {  	[tilespmem:$0xB850] =	vst v3  }
0x53: {  	v60 =	vld [tilespmem:$0xB84E];
	_ =	sdelay $0x4  }
0x54: {  	v3 =	vadd.s32 v3, v60  }
0x55: {  	[tilespmem:$0xB850] =	vst v3  }
0x56: {  	v61 =	vld [tilespmem:$0xB84C];
	_ =	sdelay $0x4  }
0x57: {  	v3 =	vadd.s32 v3, v61  }
0x58: {  	[tilespmem:$0xB850] =	vst v3  }
0x59: {  	v62 =	vld [tilespmem:$0xB848];
	_ =	sdelay $0x3  }
0x5a: {  	v5 =	vld [tilespmem:s17+$0x0]  }
0x5b: {  	v3 =	vadd.s32 v3, v62  }
0x5c: {  	(v2sf) =	vpush v3, $0xF;
	v4 =	vadd.s32 s22, v3  }
0x5d: {  	vm2 =	vle.s32 v4, v1  }
0x5e: {  	vm1 =	vmand vm1, vm2  }
0x5f: {  	v63 =	vnsel vm1, $0x186A0, v5;
	_ =	sdelay $0x4  }
0x60: {  	[tilespmem:s21], [sflag:$0x1] =	stream.indirect_vreg.gather [hbm4b:s3+s2], $0x40, v63, vm0, $0xb8;
	[tilespmem:$0xBA00] =	vst v63  }
0x61: {  	s26 =	sadd.s32 $0x10, s16;
	[tilespmem:$0xB860] =	vst v3  }
0x62: {  	p2 =	sne.s32 s20, $0x1;
	v3 =	vld [tilespmem:s26+$0x0]  }
.Ltmp6:
0x63: {  	_ = 	snop;
	(pc) =	sbr.rel @!p2 .LBB2_7-.Ltmp6, $3  }
0x64: {  	_ =	sdelay $0x1  }
0x65: {  	s28 =	sadd.s32 $0xFFFFFFFF, s20;
	p1 =	por $0x1, $0x1;
	s24 =	simm.s32 $0x0  }
0x66: {  	s23 =	simm.s32 $0x7400;
	s25 =	smov.u32 s17;
	s29 =	spop (v2sf);
	vm1 =	vlt.s32 v3, v2  }
.LBB2_8:
0x67: {  	v3 =	vsel vm1, $0x1, v0;
	s24 =	sadd.s32 s24, s29;
	s23 =	sadd.s32 $0x400, s23;
	s25 =	sadd.s32 $0x10, s25  }
0x68: {  	p2 =	sne.s32 s28, $0x1;
	s28 =	sadd.s32 $0xFFFFFFFF, s28;
	[tilespmem:$0xB850] =	vst v3  }
0x69: {  	v4 =	vld [tilespmem:$0xB84F];
	_ =	sdelay $0x4  }
0x6a: {  	v3 =	vadd.s32 v3, v4  }
0x6b: {  	[tilespmem:$0xB850] =	vst v3  }
0x6c: {  	v4 =	vld [tilespmem:$0xB84E];
	_ =	sdelay $0x4  }
0x6d: {  	v3 =	vadd.s32 v3, v4  }
0x6e: {  	[tilespmem:$0xB850] =	vst v3  }
0x6f: {  	v4 =	vld [tilespmem:$0xB84C];
	_ =	sdelay $0x4  }
0x70: {  	v3 =	vadd.s32 v3, v4  }
0x71: {  	[tilespmem:$0xB850] =	vst v3  }
0x72: {  	v4 =	vld [tilespmem:$0xB848]  }
0x73: {  	v5 =	vld [tilespmem:s25+$0x0];
	_ =	sdelay $0x3  }
0x74: {  	v3 =	vadd.s32 v3, v4  }
0x75: {  	v4 =	vadd.s32 s24, v3;
	(v2sf) =	vpush v3, $0xF  }
0x76: {  	vm2 =	vle.s32 v4, v1  }
0x77: {  	vm1 =	vmand vm1, vm2  }
0x78: {  	v4 =	vnsel vm1, $0x186A0, v5;
	_ =	sdelay $0x4  }
0x79: {  	[tilespmem:s23], [sflag:$0x1] =	stream.indirect_vreg.gather [hbm4b:s3+s2], $0x40, v4, vm0, $0xb8;
	[tilespmem:$0xBA00] =	vst v63  }
0x7a: {  	s26 =	sadd.s32 $0x10, s26;
	[tilespmem:$0xB860] =	vst v3  }
0x7b: {  	v3 =	vld [tilespmem:s26+$0x0]  }
.Ltmp7:
0x7c: {  	(pc) =	sbr.rel @p2 .LBB2_8-.Ltmp7, $2  }
0x7d: {  	_ =	sdelay $0x2  }
0x7e: {  	vm1 =	vlt.s32 v3, v2;
	s29 =	spop (v2sf)  }
.LBB2_9:
0x7f: {  	v2 =	vsel vm1, $0x1, v0  }
0x80: {  	[tilespmem:$0xB850] =	vst v2  }
0x81: {  	v3 =	vld [tilespmem:$0xB84F];
	_ =	sdelay $0x4  }
0x82: {  	v2 =	vadd.s32 v2, v3  }
0x83: {  	[tilespmem:$0xB850] =	vst v2  }
0x84: {  	v3 =	vld [tilespmem:$0xB84E];
	_ =	sdelay $0x4  }
0x85: {  	v2 =	vadd.s32 v2, v3  }
0x86: {  	[tilespmem:$0xB850] =	vst v2  }
0x87: {  	v3 =	vld [tilespmem:$0xB84C];
	_ =	sdelay $0x4  }
0x88: {  	v2 =	vadd.s32 v2, v3  }
0x89: {  	[tilespmem:$0xB850] =	vst v2  }
0x8a: {  	v3 =	vld [tilespmem:$0xB848];
	_ =	sdelay $0x4  }
0x8b: {  	v2 =	vadd.s32 v2, v3  }
0x8c: {  	(v2sf) =	vpush v2, $0xF;
	_ =	sdelay $0x1  }
0x8d: {  	s25 =	sadd.s32 @p1 $0x10, s25;
	s26 =	smov.u32 s17  }
0x8e: {  	s26 =	smov.u32 @p1 s25  }
0x8f: {  	s24 =	sadd.s32 @p1 s24, s29;
	v3 =	vld [tilespmem:s26+$0x0]  }
0x90: {  	s22 =	smov.u32 @p1 s24  }
0x91: {  	v4 =	vadd.s32 s22, v2  }
0x92: {  	vm2 =	vle.s32 v4, v1  }
0x93: {  	vm1 =	vmand vm1, vm2  }
0x94: {  	v3 =	vnsel vm1, $0x186A0, v3;
	_ =	sdelay $0x2  }
0x95: {  	s22 =	sadd.s32 @p1 $0x400, s23  }
0x96: {  	s21 =	smov.u32 @p1 s22  }
0x97: {  	[tilespmem:s21], [sflag:$0x1] =	stream.indirect_vreg.gather [hbm4b:s3+s2], $0x40, v3, vm0, $0xb8;
	[tilespmem:$0xBA00] =	vst v63  }
0x98: {  	s21 =	smov.u32 s19;
	[tilespmem:$0xB860] =	vst v2;
	s31 =	spop (v2sf)  }
.LBB2_10:
0x99: {  	p1 =	sne.s32 s21, $0x1  }
.Ltmp8:
0x9a: {  	_ = 	snop;
	(pc) =	sbr.rel @p1 .LBB2_10-.Ltmp8, $4  }
0x9b: {  	_ = 	snop  }
0x9c: {  	_ =	swait.ge [sflag:s13], $0x400  }
0x9d: {  	[sflag:s13] =	ssyncset.done $0x0  }
0x9e: {  	s21 =	sadd.s32 $0xFFFFFFFF, s21;
	[sflag:s13] =	ssyncadd.s32 $0xFFFFFC00  }
0x9f: {  	s21 =	simm.s32 $0x7600  }
0xa0: {  	v2 =	vld [tilespmem:s21+$0x1C0]  }
0xa1: {  	v4 =	vld [tilespmem:s21+$0x1D0]  }
0xa2: {  	v3 =	vld [tilespmem:s21+$0x180]  }
0xa3: {  	v5 =	vld [tilespmem:s21+$0x190]  }
0xa4: {  	v6 =	vld [tilespmem:s21+$0x140]  }
0xa5: {  	v7 =	vld [tilespmem:s21+$0x150]  }
0xa6: {  	v8 =	vld [tilespmem:s21+$0x100]  }
0xa7: {  	v9 =	vld [tilespmem:s21+$0x110]  }
0xa8: {  	v10 =	vld [tilespmem:s21+$0xC0]  }
0xa9: {  	v11 =	vld [tilespmem:s21+$0xD0]  }
0xaa: {  	v12 =	vld [tilespmem:s21+$0x80]  }
0xab: {  	v13 =	vld [tilespmem:s21+$0x90]  }
0xac: {  	v14 =	vld [tilespmem:s21+$0x40]  }
0xad: {  	v15 =	vld [tilespmem:s21+$0x50]  }
0xae: {  	v16 =	vld [tilespmem:s21+$0x0]  }
0xaf: {  	v17 =	vld [tilespmem:s21+$0x10]  }
0xb0: {  	v18 =	vld [tilespmem:s21+$0xFFFFFFC0]  }
0xb1: {  	v19 =	vld [tilespmem:s21+$0xFFFFFFD0]  }
0xb2: {  	v20 =	vld [tilespmem:s21+$0xFFFFFF80]  }
0xb3: {  	v21 =	vld [tilespmem:s21+$0xFFFFFF90]  }
0xb4: {  	v22 =	vld [tilespmem:s21+$0xFFFFFF40]  }
0xb5: {  	v23 =	vld [tilespmem:s21+$0xFFFFFF50]  }
0xb6: {  	v24 =	vld [tilespmem:s21+$0xFFFFFF00]  }
0xb7: {  	v25 =	vld [tilespmem:s21+$0xFFFFFF10]  }
0xb8: {  	v26 =	vld [tilespmem:s21+$0xFFFFFEC0]  }
0xb9: {  	v27 =	vld [tilespmem:s21+$0xFFFFFED0]  }
0xba: {  	v32 =	vld [tilespmem:s21+$0xFFFFFE80]  }
0xbb: {  	v33 =	vld [tilespmem:s21+$0xFFFFFE90]  }
0xbc: {  	v34 =	vld [tilespmem:s21+$0xFFFFFE40]  }
.Ltmp9:
0xbd: {  	v35 =	vld [tilespmem:s21+$0xFFFFFE50];
	(pc) =	sbr.rel @!p0 .LBB2_13-.Ltmp9, $4  }
0xbe: {  	v36 =	vld [tilespmem:s21+$0xFFFFFE00]  }
0xbf: {  	v38 =	vld [tilespmem:s21+$0xFFFFFE10]  }
0xc0: {  	v28 =	vimm.f32 $0.0e+00;
	v37 =	vld [tilespmem:s21+$0xFFFFFE20]  }
0xc1: {  	v31 =	vimm.f32 $0.0e+00;
	v29 =	vimm.f32 $0.0e+00;
	v30 =	vimm.f32 $0.0e+00;
	v39 =	vld [tilespmem:s21+$0xFFFFFE30]  }
.LBB2_12:
0xc2: {  	p0 =	sne.s32 s20, $0x1;
	v40 =	vld [tilespmem:s21+$0xFFFFFE60]  }
0xc3: {  	v41 =	vld [tilespmem:s21+$0xFFFFFE70]  }
0xc4: {  	v42 =	vld [tilespmem:s21+$0xFFFFFEA0]  }
0xc5: {  	v28 =	vadd.f32 v36, v28;
	v31 =	vadd.f32 v38, v31;
	v36 =	vld [tilespmem:s21+$0xFFFFFEB0]  }
0xc6: {  	v29 =	vadd.f32 v37, v29;
	v30 =	vadd.f32 v39, v30;
	v37 =	vld [tilespmem:s21+$0xFFFFFEE0]  }
0xc7: {  	v28 =	vadd.f32 v34, v28;
	v31 =	vadd.f32 v35, v31;
	v34 =	vld [tilespmem:s21+$0xFFFFFEF0]  }
0xc8: {  	v29 =	vadd.f32 v40, v29;
	v30 =	vadd.f32 v41, v30;
	v35 =	vld [tilespmem:s21+$0xFFFFFF20]  }
0xc9: {  	v28 =	vadd.f32 v32, v28;
	v31 =	vadd.f32 v33, v31;
	v32 =	vld [tilespmem:s21+$0xFFFFFF30]  }
0xca: {  	v29 =	vadd.f32 v42, v29;
	v30 =	vadd.f32 v36, v30;
	v33 =	vld [tilespmem:s21+$0xFFFFFF60]  }
0xcb: {  	v26 =	vadd.f32 v26, v28;
	v27 =	vadd.f32 v27, v31;
	v28 =	vld [tilespmem:s21+$0xFFFFFF70]  }
0xcc: {  	v29 =	vadd.f32 v37, v29;
	v30 =	vadd.f32 v34, v30;
	v31 =	vld [tilespmem:s21+$0xFFFFFFA0]  }
0xcd: {  	v24 =	vadd.f32 v24, v26;
	v25 =	vadd.f32 v25, v27;
	v26 =	vld [tilespmem:s21+$0xFFFFFFB0]  }
0xce: {  	v27 =	vadd.f32 v35, v29;
	v29 =	vadd.f32 v32, v30;
	v30 =	vld [tilespmem:s21+$0xFFFFFFE0]  }
0xcf: {  	v22 =	vadd.f32 v22, v24;
	v23 =	vadd.f32 v23, v25;
	v24 =	vld [tilespmem:s21+$0xFFFFFFF0]  }
0xd0: {  	v25 =	vadd.f32 v33, v27;
	v27 =	vadd.f32 v28, v29;
	v28 =	vld [tilespmem:s21+$0x20]  }
0xd1: {  	v20 =	vadd.f32 v20, v22;
	v21 =	vadd.f32 v21, v23;
	v22 =	vld [tilespmem:s21+$0x30]  }
0xd2: {  	v23 =	vadd.f32 v31, v25;
	v25 =	vadd.f32 v26, v27;
	v26 =	vld [tilespmem:s21+$0x60]  }
0xd3: {  	v18 =	vadd.f32 v18, v20;
	v19 =	vadd.f32 v19, v21;
	v20 =	vld [tilespmem:s21+$0x70]  }
0xd4: {  	v21 =	vadd.f32 v30, v23;
	v23 =	vadd.f32 v24, v25;
	v24 =	vld [tilespmem:s21+$0xA0]  }
0xd5: {  	v16 =	vadd.f32 v16, v18;
	v17 =	vadd.f32 v17, v19;
	v18 =	vld [tilespmem:s21+$0xB0]  }
0xd6: {  	v19 =	vadd.f32 v28, v21;
	v21 =	vadd.f32 v22, v23;
	v22 =	vld [tilespmem:s21+$0xE0]  }
0xd7: {  	v14 =	vadd.f32 v14, v16;
	v15 =	vadd.f32 v15, v17;
	v16 =	vld [tilespmem:s21+$0xF0]  }
0xd8: {  	v17 =	vadd.f32 v26, v19;
	v19 =	vadd.f32 v20, v21;
	v20 =	vld [tilespmem:s21+$0x120]  }
0xd9: {  	v12 =	vadd.f32 v12, v14;
	v13 =	vadd.f32 v13, v15;
	v14 =	vld [tilespmem:s21+$0x130]  }
0xda: {  	v15 =	vadd.f32 v24, v17;
	v17 =	vadd.f32 v18, v19;
	v18 =	vld [tilespmem:s21+$0x160]  }
0xdb: {  	v10 =	vadd.f32 v10, v12;
	v11 =	vadd.f32 v11, v13;
	v12 =	vld [tilespmem:s21+$0x170]  }
0xdc: {  	v13 =	vadd.f32 v22, v15;
	v15 =	vadd.f32 v16, v17;
	v16 =	vld [tilespmem:s21+$0x1A0]  }
0xdd: {  	v8 =	vadd.f32 v8, v10;
	v9 =	vadd.f32 v9, v11;
	v10 =	vld [tilespmem:s21+$0x1B0]  }
0xde: {  	v11 =	vadd.f32 v20, v13;
	v13 =	vadd.f32 v14, v15;
	v14 =	vld [tilespmem:s21+$0x1E0]  }
0xdf: {  	v6 =	vadd.f32 v6, v8;
	v7 =	vadd.f32 v7, v9;
	v8 =	vld [tilespmem:s21+$0x1F0];
	s21 =	sadd.s32 $0x400, s21  }
0xe0: {  	v11 =	vadd.f32 v18, v11;
	v9 =	vld [tilespmem:s21+$0x1C0];
	v12 =	vadd.f32 v12, v13  }
0xe1: {  	v6 =	vadd.f32 v3, v6;
	v7 =	vadd.f32 v5, v7;
	v13 =	vld [tilespmem:s21+$0x1D0]  }
0xe2: {  	v11 =	vadd.f32 v16, v11;
	v3 =	vld [tilespmem:s21+$0x180];
	v10 =	vadd.f32 v10, v12  }
0xe3: {  	v28 =	vadd.f32 v2, v6;
	v31 =	vadd.f32 v4, v7;
	v5 =	vld [tilespmem:s21+$0x190]  }
0xe4: {  	v29 =	vadd.f32 v14, v11;
	v6 =	vld [tilespmem:s21+$0x140];
	v30 =	vadd.f32 v8, v10  }
0xe5: {  	v7 =	vld [tilespmem:s21+$0x150];
	v2 =	vmov v9  }
0xe6: {  	v8 =	vld [tilespmem:s21+$0x100];
	v4 =	vmov v13  }
0xe7: {  	v9 =	vld [tilespmem:s21+$0x110]  }
0xe8: {  	v10 =	vld [tilespmem:s21+$0xC0]  }
0xe9: {  	v11 =	vld [tilespmem:s21+$0xD0]  }
0xea: {  	v12 =	vld [tilespmem:s21+$0x80]  }
0xeb: {  	v13 =	vld [tilespmem:s21+$0x90]  }
0xec: {  	v14 =	vld [tilespmem:s21+$0x40]  }
0xed: {  	v15 =	vld [tilespmem:s21+$0x50]  }
0xee: {  	v16 =	vld [tilespmem:s21+$0x0]  }
0xef: {  	v17 =	vld [tilespmem:s21+$0x10]  }
0xf0: {  	v18 =	vld [tilespmem:s21+$0xFFFFFFC0]  }
0xf1: {  	v19 =	vld [tilespmem:s21+$0xFFFFFFD0]  }
0xf2: {  	v20 =	vld [tilespmem:s21+$0xFFFFFF80]  }
0xf3: {  	v21 =	vld [tilespmem:s21+$0xFFFFFF90]  }
0xf4: {  	v22 =	vld [tilespmem:s21+$0xFFFFFF40]  }
0xf5: {  	v23 =	vld [tilespmem:s21+$0xFFFFFF50]  }
0xf6: {  	v24 =	vld [tilespmem:s21+$0xFFFFFF00]  }
0xf7: {  	v25 =	vld [tilespmem:s21+$0xFFFFFF10]  }
0xf8: {  	v26 =	vld [tilespmem:s21+$0xFFFFFEC0]  }
0xf9: {  	v27 =	vld [tilespmem:s21+$0xFFFFFED0]  }
0xfa: {  	v32 =	vld [tilespmem:s21+$0xFFFFFE80]  }
0xfb: {  	v33 =	vld [tilespmem:s21+$0xFFFFFE90]  }
0xfc: {  	v34 =	vld [tilespmem:s21+$0xFFFFFE40]  }
.Ltmp10:
0xfd: {  	v35 =	vld [tilespmem:s21+$0xFFFFFE50];
	(pc) =	sbr.rel @p0 .LBB2_12-.Ltmp10, $4  }
0xfe: {  	v36 =	vld [tilespmem:s21+$0xFFFFFE00]  }
0xff: {  	v38 =	vld [tilespmem:s21+$0xFFFFFE10]  }
0x100: {  	v37 =	vld [tilespmem:s21+$0xFFFFFE20]  }
0x101: {  	s20 =	sadd.s32 $0xFFFFFFFF, s20;
	v39 =	vld [tilespmem:s21+$0xFFFFFE30]  }
.LBB2_13:
0x102: {  	v40 =	vld [tilespmem:s21+$0xFFFFFE60]  }
0x103: {  	v41 =	vld [tilespmem:s21+$0xFFFFFE70]  }
0x104: {  	v42 =	vld [tilespmem:s21+$0xFFFFFEA0]  }
0x105: {  	v48 =	vld [tilespmem:s21+$0xFFFFFEB0];
	v28 =	vadd.f32 v36, v28;
	v31 =	vadd.f32 v38, v31  }
0x106: {  	v49 =	vld [tilespmem:s21+$0xFFFFFEE0];
	v29 =	vadd.f32 v37, v29;
	v30 =	vadd.f32 v39, v30  }
0x107: {  	v50 =	vld [tilespmem:s21+$0xFFFFFEF0];
	v28 =	vadd.f32 v34, v28;
	v31 =	vadd.f32 v35, v31  }
0x108: {  	v51 =	vld [tilespmem:s21+$0xFFFFFF20];
	v29 =	vadd.f32 v40, v29;
	v30 =	vadd.f32 v41, v30  }
0x109: {  	v52 =	vld [tilespmem:s21+$0xFFFFFF30];
	v28 =	vadd.f32 v32, v28;
	v31 =	vadd.f32 v33, v31  }
0x10a: {  	v53 =	vld [tilespmem:s21+$0xFFFFFF60];
	v29 =	vadd.f32 v42, v29;
	v30 =	vadd.f32 v48, v30  }
0x10b: {  	v54 =	vld [tilespmem:s21+$0xFFFFFF70];
	v26 =	vadd.f32 v26, v28;
	v27 =	vadd.f32 v27, v31  }
0x10c: {  	v55 =	vld [tilespmem:s21+$0xFFFFFFA0];
	v29 =	vadd.f32 v49, v29;
	v30 =	vadd.f32 v50, v30  }
0x10d: {  	v56 =	vld [tilespmem:s21+$0xFFFFFFB0];
	v24 =	vadd.f32 v24, v26;
	v25 =	vadd.f32 v25, v27  }
0x10e: {  	v59 =	vld [tilespmem:s21+$0xFFFFFFE0];
	v57 =	vadd.f32 v51, v29;
	v58 =	vadd.f32 v52, v30  }
0x10f: {  	v60 =	vld [tilespmem:s21+$0xFFFFFFF0];
	v22 =	vadd.f32 v22, v24;
	v23 =	vadd.f32 v23, v25  }
0x110: {  	v63 =	vld [tilespmem:s21+$0x20];
	v61 =	vadd.f32 v53, v57;
	v62 =	vadd.f32 v54, v58  }
0x111: {  	v32 =	vld [tilespmem:s21+$0x30];
	v20 =	vadd.f32 v20, v22;
	v21 =	vadd.f32 v21, v23  }
0x112: {  	v36 =	vld [tilespmem:s21+$0x70];
	v33 =	vadd.f32 v55, v61;
	v34 =	vadd.f32 v56, v62  }
0x113: {  	v35 =	vld [tilespmem:s21+$0x60];
	v18 =	vadd.f32 v18, v20;
	v19 =	vadd.f32 v19, v21  }
0x114: {  	v39 =	vld [tilespmem:s21+$0xA0];
	v37 =	vadd.f32 v59, v33;
	v38 =	vadd.f32 v60, v34  }
0x115: {  	v40 =	vld [tilespmem:s21+$0xB0];
	v16 =	vadd.f32 v16, v18;
	v17 =	vadd.f32 v17, v19  }
0x116: {  	v43 =	vld [tilespmem:s21+$0xE0];
	v41 =	vadd.f32 v63, v37;
	v42 =	vadd.f32 v32, v38  }
0x117: {  	v44 =	vld [tilespmem:s21+$0xF0];
	v14 =	vadd.f32 v14, v16;
	v15 =	vadd.f32 v15, v17  }
0x118: {  	v47 =	vld [tilespmem:s21+$0x120];
	v45 =	vadd.f32 v35, v41;
	v46 =	vadd.f32 v36, v42  }
0x119: {  	v48 =	vld [tilespmem:s21+$0x130];
	v12 =	vadd.f32 v12, v14;
	v13 =	vadd.f32 v13, v15  }
0x11a: {  	v51 =	vld [tilespmem:s21+$0x160];
	v49 =	vadd.f32 v39, v45;
	v50 =	vadd.f32 v40, v46  }
0x11b: {  	v52 =	vld [tilespmem:s21+$0x170];
	v10 =	vadd.f32 v10, v12;
	v11 =	vadd.f32 v11, v13  }
0x11c: {  	v55 =	vld [tilespmem:s21+$0x1A0];
	v53 =	vadd.f32 v43, v49;
	v54 =	vadd.f32 v44, v50  }
0x11d: {  	v56 =	vld [tilespmem:s21+$0x1B0];
	v8 =	vadd.f32 v8, v10;
	v9 =	vadd.f32 v9, v11  }
0x11e: {  	v59 =	vld [tilespmem:s21+$0x1E0];
	v57 =	vadd.f32 v47, v53;
	v58 =	vadd.f32 v48, v54  }
0x11f: {  	v60 =	vld [tilespmem:s21+$0x1F0];
	v6 =	vadd.f32 v6, v8;
	v7 =	vadd.f32 v7, v9  }
.Ltmp11:
0x120: {  	v61 =	vadd.f32 v51, v57;
	v62 =	vadd.f32 v52, v58;
	(pc) =	sbr.rel .LBB2_14-.Ltmp11, $4  }
0x121: {  	v3 =	vadd.f32 v3, v6;
	v6 =	vadd.f32 v5, v7  }
0x122: {  	v7 =	vadd.f32 v55, v61;
	v63 =	vadd.f32 v56, v62  }
0x123: {  	v5 =	vadd.f32 v2, v3;
	v4 =	vadd.f32 v4, v6  }
0x124: {  	v3 =	vadd.f32 v59, v7;
	v2 =	vadd.f32 v60, v63  }
.LBB2_5:
.Ltmp12:
0x125: {  	(pc) =	sbr.rel .LBB2_9-.Ltmp12, $2  }
0x126: {  	_ =	sdelay $0x2  }
0x127: {  	s24 =	simm.s32 $0x0;
	s23 =	simm.s32 $0x7400;
	s25 =	smov.u32 s17  }
.LBB2_7:
.Ltmp13:
0x128: {  	(pc) =	sbr.rel .LBB2_9-.Ltmp13, $2  }
0x129: {  	_ =	sdelay $0x2  }
0x12a: {  	s24 =	simm.s32 $0x0;
	s23 =	simm.s32 $0x7400;
	s25 =	smov.u32 s17  }
.LBB2_16:
0x12b: {  	_ =	sfence.sel $0x180000  }
0x12c: {  	[bflag:$0x0] =	sbarrier.arrive $0xFFFF  }
0x12d: {  	p0 =	sne.s32 s0, $0x0;
	_ =	strace $0x9000004A  }
0x12e: {  	s0 =	sadd.s32 @!p0 $0x100000, s1;
	[bflag:$0x2] =	sbarrier.arrive $0xFFFF  }
0x12f: {  	[sflag:s0] =	ssyncadd.tile.s32 @!p0 $0x1;
	_ =	shalt  }
.Lfunc_end2:
_tile_overlayer_lowered:
.L_overlay_start_2:
0x130: {  	(tag) =	ssettag $0x2  }
0x131: {  	s0 =	rddreg [dreg:$0x0];
	s2 =	stileid.u32  }
0x132: {  	s1 =	rddreg [dreg:$0x1];
	p0 =	sne.s32 s2, $0x0  }
0x133: {  	s3 =	rddreg [dreg:$0x2];
	[bflag:$0x3] =	sbarrier.arrive $0xFFFF;
	s2 =	simm.s32 @!p0 $0x1C02  }
0x134: {  	[timem:s3], [sflag:s2] =	dma.local @!p0 [hbm:s0], s1  }
0x135: {  	s0 =	simm.s32 @!p0 $0x2  }
0x136: {  	_ =	swait.ge @!p0 [sflag:s0], s1  }
0x137: {  	s1 =	ssub.s32 @!p0 $0x0, s1;
	[sflag:s0] =	ssyncset.done @!p0 $0x0  }
0x138: {  	[sflag:s0] =	ssyncadd.s32 @!p0 s1  }
0x139: {  	[bflag:$0x3] =	sbarrier.arrive $0xFFFF  }
0x13a: {  	_ =	shalt  }

</sc_bundles>
